<compile_context>
chip_gen: v7x
topology: tpu7x:2x2x1
jax: 0.10.2.dev20260603
libtpu: 0.0.44.dev20260713+nightly
codegen_flags: <defaults>
</compile_context>

<pallas_src>
import functools

import jax
import jax.numpy as jnp
from jax import lax
from jax.experimental import pallas as pl
from jax.experimental.pallas import tpu as pltpu
from jax.experimental.pallas import tpu_sc as plsc

N = 10000
E = 320000
D = 128
DP = 144
NR = 10016
NC = 2
NS = 16
NW = NC * NS
BLK = 112
NB0 = 111
NB1 = 68
E_PAD = NS * (NB0 + NB1) * BLK
RPT = N // NS

_mesh = plsc.VectorSubcoreMesh(core_axis_name="c", subcore_axis_name="s")


@functools.partial(
    pl.kernel,
    out_type=jax.ShapeDtypeStruct((NC, N, DP), jnp.float32),
    mesh=_mesh,
    scratch_types=[
        pltpu.VMEM((NB0, BLK), jnp.int32),
        pltpu.VMEM((NB0, BLK), jnp.int32),
        pltpu.VMEM((BLK, DP), jnp.float32),
        pltpu.VMEM_SHARED((N, DP), jnp.float32),
        pltpu.SemaphoreType.DMA,
    ],
    compiler_params=pltpu.CompilerParams(use_tc_tiling_on_sc=False),
)
def _sc_aggregate(feat_hbm, srcb_hbm, dstb_hbm, out_hbm,
                  src_v, dst_v, rows_v, acc, sem):
    cid = lax.axis_index("c")
    sid = lax.axis_index("s")
    wid = sid * NC + cid
    nb = jnp.where(cid == 0, NB0, NB1)

    zero = jnp.zeros((16,), jnp.float32)

    @pl.loop(0, BLK)
    def _(r):
        for c in range(DP // 16):
            rows_v[r, pl.ds(c * 16, 16)] = zero

    base = sid * RPT

    @pl.loop(0, RPT // BLK)
    def _(z):
        pltpu.sync_copy(rows_v, acc.at[pl.ds(base + z * BLK, BLK)])

    pltpu.sync_copy(rows_v.at[pl.ds(0, RPT % BLK)],
                    acc.at[pl.ds(base + RPT - RPT % BLK, RPT % BLK)])

    pltpu.sync_copy(srcb_hbm.at[wid], src_v)
    pltpu.sync_copy(dstb_hbm.at[wid], dst_v)

    plsc.subcore_barrier()

    @pl.loop(0, nb)
    def _(j):
        pltpu.async_copy(feat_hbm.at[src_v.at[j]], rows_v, sem).wait()
        pltpu.sync_copy(rows_v, acc.at[dst_v.at[j]], add=True)

    plsc.subcore_barrier()

    pltpu.sync_copy(acc.at[pl.ds(base, RPT)],
                    out_hbm.at[cid, pl.ds(base, RPT)])


ROW_BLK = 400


def _mlp_body(x_ref, agg_ref, wt_ref, b_ref, out_ref, *, relu, pad_out):
    a = agg_ref[0] + agg_ref[1]
    deg = a[:, D:D + 1]
    mean = a[:, :D] / jnp.maximum(deg, 1.0)
    rst = x_ref[:, :D] + mean
    y = jnp.dot(rst, wt_ref[...], preferred_element_type=jnp.float32) + b_ref[...]
    if relu:
        y = jnp.maximum(y, 0.0)
    if pad_out:
        out_ref[:, :D] = y
        out_ref[:, D:D + 1] = jnp.ones((ROW_BLK, 1), jnp.float32)
        out_ref[:, D + 1:] = jnp.zeros((ROW_BLK, DP - D - 1), jnp.float32)
    else:
        out_ref[...] = y


def _mlp(x, agg, wt, b, *, relu, pad_out):
    din = x.shape[1]
    dout = DP if pad_out else D
    return pl.pallas_call(
        functools.partial(_mlp_body, relu=relu, pad_out=pad_out),
        grid=(N // ROW_BLK,),
        in_specs=[
            pl.BlockSpec((ROW_BLK, din), lambda i: (i, 0)),
            pl.BlockSpec((NC, ROW_BLK, DP), lambda i: (0, i, 0)),
            pl.BlockSpec((D, D), lambda i: (0, 0)),
            pl.BlockSpec((1, D), lambda i: (0, 0)),
        ],
        out_specs=pl.BlockSpec((ROW_BLK, dout), lambda i: (i, 0)),
        out_shape=jax.ShapeDtypeStruct((N, dout), jnp.float32),
    )(x, agg, wt, b)


def _split_blocks(arr, pad_value):
    n0 = NS * NB0 * BLK
    p0 = arr[:n0].reshape(NS, 1, NB0, BLK)
    p1 = jnp.pad(arr[n0:].reshape(NS, 1, NB1, BLK),
                 ((0, 0), (0, 0), (0, NB0 - NB1), (0, 0)),
                 constant_values=pad_value)
    return jnp.concatenate([p0, p1], axis=1).reshape(NW, NB0, BLK)


@jax.jit
def _run(features, edge_index, W1, b1, W2, b2):
    src = _split_blocks(jnp.pad(edge_index[0], (0, E_PAD - E),
                                constant_values=N), N)
    dst = _split_blocks(jnp.pad(edge_index[1], (0, E_PAD - E)), 0)
    x_aug = jnp.concatenate(
        [features,
         jnp.ones((N, 1), jnp.float32),
         jnp.zeros((N, DP - D - 1), jnp.float32)], axis=1)
    x_aug_p = jnp.pad(x_aug, ((0, NR - N), (0, 0)))

    agg1 = _sc_aggregate(x_aug_p, src, dst)
    x1_aug = _mlp(features, agg1, W1.T, b1[None, :], relu=True, pad_out=True)
    agg2 = _sc_aggregate(jnp.pad(x1_aug, ((0, NR - N), (0, 0))), src, dst)
    out = _mlp(x1_aug, agg2, W2.T, b2[None, :], relu=False, pad_out=False)
    return out


def kernel(features, edge_index, W1, b1, W2, b2):
    return _run(features, edge_index, W1, b1, W2, b2)

# --- scband reference (transcript-rebuilt; emitter-appended) ---
"""Pipeline reference for scband-gin-75127567942136 (READ-ONLY COPY).

The authoritative reference and input builder live on the scoring server;
editing this copy changes nothing except your own understanding.
"""

import jax, jax.numpy as jnp
import numpy as np

N = 10000
E = 320000
D_IN = 128
D_H = 128
D_OUT = 128


def _xavier_relu(key, out_dim, in_dim):
    gain = float(np.sqrt(2.0))
    limit = gain * float(np.sqrt(6.0 / (in_dim + out_dim)))
    return jax.random.uniform(key, (out_dim, in_dim), minval=-limit, maxval=limit, dtype=jnp.float32)


def setup_inputs(seed: int = 0) -> dict:
    key = jax.random.key(seed)
    ks = jax.random.split(key, 6)
    x = jax.random.normal(ks[0], (N, D_IN), dtype=jnp.float32)
    edge_index = jax.random.randint(ks[1], (2, E), 0, N, dtype=jnp.int32)
    W1 = _xavier_relu(ks[2], D_H, D_IN)
    s1 = 1.0 / float(np.sqrt(D_H))
    b1 = jax.random.uniform(ks[3], (D_H,), minval=-s1, maxval=s1, dtype=jnp.float32)
    W2 = _xavier_relu(ks[4], D_OUT, D_H)
    s2 = 1.0 / float(np.sqrt(D_OUT))
    b2 = jax.random.uniform(ks[5], (D_OUT,), minval=-s2, maxval=s2, dtype=jnp.float32)
    return {"features": x, "edge_index": edge_index, "W1": W1, "b1": b1, "W2": W2, "b2": b2}


def _gin_conv_mean(feat, src, dst, W, b):
    # DGL GINConv with aggregator_type='mean', eps=0:
    #   rst = (1 + eps) * feat + mean_{j in N_in(i)} feat_j ; out = Linear(rst)
    msg = jnp.take(feat, src, axis=0)
    agg = jax.ops.segment_sum(msg, dst, num_segments=N)
    deg = jax.ops.segment_sum(jnp.ones((E,), dtype=feat.dtype), dst, num_segments=N)
    mean = agg / jnp.maximum(deg, 1.0)[:, None]
    rst = feat + mean
    return rst @ W.T + b


def reference(features, edge_index, W1, b1, W2, b2):
    src = edge_index[0]
    dst = edge_index[1]
    x1 = jax.nn.relu(_gin_conv_mean(features.astype(jnp.float32), src, dst, W1, b1))
    x2 = _gin_conv_mean(x1, src, dst, W2, b2)
    return x2

if __name__ == "__main__":
    import jax
    _d = setup_inputs()
    print(jax.jit(kernel)(*tuple(_d.values())))

</pallas_src>

<mosaic_0001>
#map = affine_map<(d0, d1) -> (0, 0)>
#map1 = affine_map<(d0, d1) -> (0, 0, 0)>
module attributes {stable_mosaic.version = 14 : i64} {
  func.func @_sc_aggregate(%arg0: i32, %arg1: i32, %arg2: memref<10016x144xf32, #tpu.memory_space<hbm>>, %arg3: memref<32x111x112xi32, #tpu.memory_space<hbm>>, %arg4: memref<32x111x112xi32, #tpu.memory_space<hbm>>, %arg5: memref<2x10000x144xf32, #tpu.memory_space<hbm>>, %arg6: memref<111x112xi32, #tpu.memory_space<vmem>>, %arg7: memref<111x112xi32, #tpu.memory_space<vmem>>, %arg8: memref<112x144xf32, #tpu.memory_space<vmem>>, %arg9: memref<10000x144xf32, #tpu.memory_space<vmem_shared>>, %arg10: memref<!tpu.dma_semaphore, #tpu.memory_space<semaphore_mem>>) attributes {dimension_semantics = [#tpu.dimension_semantics<core_parallel>, #tpu.dimension_semantics<subcore_parallel>], iteration_bounds = array<i64: 2, 16>, scalar_prefetch = 0 : i64, scratch_operands = 5 : i64, tpu.core_type = #tpu.core_type<sc_vector_subcore>, window_params = [{transform_indices = #map}, {transform_indices = #map1}, {transform_indices = #map1}, {transform_indices = #map1}]} {
    %mul3A = arith.constant 2 : i32
    %mul3A_0 = arith.muli %arg1, %mul3A : i32
    %add3A = arith.addi %mul3A_0, %arg0 : i32
    %eq3A = arith.constant 0 : i32
    %eq3A_1 = arith.cmpi eq, %arg0, %eq3A : i32
    %jit3A = arith.constant 111 : i32
    %jit3A_2 = arith.constant 68 : i32
    %select_n3A = arith.select %eq3A_1, %jit3A, %jit3A_2 : i32
    %broadcast_in_dim3A = arith.constant 0.000000e+00 : f32
    %broadcast_in_dim3A_3 = vector.broadcast %broadcast_in_dim3A : f32 to vector<16xf32>
    %scan3A = arith.constant 0 : i32
    %scan3A_4 = arith.constant 112 : i32
    %scan3A_5 = arith.addi %scan3A, %scan3A_4 : i32
    %scan3A_6 = arith.constant 1 : i32
    scf.for %scan3A_36 = %scan3A to %scan3A_5 step %scan3A_6  : i32 {
      %mul3A_37 = arith.constant 1 : i32
      %mul3A_38 = arith.muli %scan3A_36, %mul3A_37 : i32
      %add3A_39 = arith.constant 0 : i32
      %add3A_40 = arith.addi %add3A_39, %mul3A_38 : i32
      %swap3A = arith.index_cast %add3A_40 : i32 to index
      %swap3A_41 = arith.constant 0 : index
      %swap3A_42 = tpu.vector_load %arg8[%swap3A, %swap3A_41] {strides = array<i32>} : memref<112x144xf32, #tpu.memory_space<vmem>>, vector<1x16xf32>,
      %swap3A_43 = vector.shape_cast %swap3A_42 : vector<1x16xf32> to vector<16xf32>
      %swap3A_44 = vector.shape_cast %broadcast_in_dim3A_3 : vector<16xf32> to vector<1x16xf32>
      tpu.vector_store %arg8[%swap3A, %swap3A_41], %swap3A_44 {strides = array<i32>} : memref<112x144xf32, #tpu.memory_space<vmem>>, vector<1x16xf32>,
      %swap3A_45 = arith.index_cast %add3A_40 : i32 to index
      %swap3A_46 = arith.constant 16 : index
      %swap3A_47 = tpu.vector_load %arg8[%swap3A_45, %swap3A_46] {strides = array<i32>} : memref<112x144xf32, #tpu.memory_space<vmem>>, vector<1x16xf32>,
      %swap3A_48 = vector.shape_cast %swap3A_47 : vector<1x16xf32> to vector<16xf32>
      %swap3A_49 = vector.shape_cast %broadcast_in_dim3A_3 : vector<16xf32> to vector<1x16xf32>
      tpu.vector_store %arg8[%swap3A_45, %swap3A_46], %swap3A_49 {strides = array<i32>} : memref<112x144xf32, #tpu.memory_space<vmem>>, vector<1x16xf32>,
      %swap3A_50 = arith.index_cast %add3A_40 : i32 to index
      %swap3A_51 = arith.constant 32 : index
      %swap3A_52 = tpu.vector_load %arg8[%swap3A_50, %swap3A_51] {strides = array<i32>} : memref<112x144xf32, #tpu.memory_space<vmem>>, vector<1x16xf32>,
      %swap3A_53 = vector.shape_cast %swap3A_52 : vector<1x16xf32> to vector<16xf32>
      %swap3A_54 = vector.shape_cast %broadcast_in_dim3A_3 : vector<16xf32> to vector<1x16xf32>
      tpu.vector_store %arg8[%swap3A_50, %swap3A_51], %swap3A_54 {strides = array<i32>} : memref<112x144xf32, #tpu.memory_space<vmem>>, vector<1x16xf32>,
      %swap3A_55 = arith.index_cast %add3A_40 : i32 to index
      %swap3A_56 = arith.constant 48 : index
      %swap3A_57 = tpu.vector_load %arg8[%swap3A_55, %swap3A_56] {strides = array<i32>} : memref<112x144xf32, #tpu.memory_space<vmem>>, vector<1x16xf32>,
      %swap3A_58 = vector.shape_cast %swap3A_57 : vector<1x16xf32> to vector<16xf32>
      %swap3A_59 = vector.shape_cast %broadcast_in_dim3A_3 : vector<16xf32> to vector<1x16xf32>
      tpu.vector_store %arg8[%swap3A_55, %swap3A_56], %swap3A_59 {strides = array<i32>} : memref<112x144xf32, #tpu.memory_space<vmem>>, vector<1x16xf32>,
      %swap3A_60 = arith.index_cast %add3A_40 : i32 to index
      %swap3A_61 = arith.constant 64 : index
      %swap3A_62 = tpu.vector_load %arg8[%swap3A_60, %swap3A_61] {strides = array<i32>} : memref<112x144xf32, #tpu.memory_space<vmem>>, vector<1x16xf32>,
      %swap3A_63 = vector.shape_cast %swap3A_62 : vector<1x16xf32> to vector<16xf32>
      %swap3A_64 = vector.shape_cast %broadcast_in_dim3A_3 : vector<16xf32> to vector<1x16xf32>
      tpu.vector_store %arg8[%swap3A_60, %swap3A_61], %swap3A_64 {strides = array<i32>} : memref<112x144xf32, #tpu.memory_space<vmem>>, vector<1x16xf32>,
      %swap3A_65 = arith.index_cast %add3A_40 : i32 to index
      %swap3A_66 = arith.constant 80 : index
      %swap3A_67 = tpu.vector_load %arg8[%swap3A_65, %swap3A_66] {strides = array<i32>} : memref<112x144xf32, #tpu.memory_space<vmem>>, vector<1x16xf32>,
      %swap3A_68 = vector.shape_cast %swap3A_67 : vector<1x16xf32> to vector<16xf32>
      %swap3A_69 = vector.shape_cast %broadcast_in_dim3A_3 : vector<16xf32> to vector<1x16xf32>
      tpu.vector_store %arg8[%swap3A_65, %swap3A_66], %swap3A_69 {strides = array<i32>} : memref<112x144xf32, #tpu.memory_space<vmem>>, vector<1x16xf32>,
      %swap3A_70 = arith.index_cast %add3A_40 : i32 to index
      %swap3A_71 = arith.constant 96 : index
      %swap3A_72 = tpu.vector_load %arg8[%swap3A_70, %swap3A_71] {strides = array<i32>} : memref<112x144xf32, #tpu.memory_space<vmem>>, vector<1x16xf32>,
      %swap3A_73 = vector.shape_cast %swap3A_72 : vector<1x16xf32> to vector<16xf32>
      %swap3A_74 = vector.shape_cast %broadcast_in_dim3A_3 : vector<16xf32> to vector<1x16xf32>
      tpu.vector_store %arg8[%swap3A_70, %swap3A_71], %swap3A_74 {strides = array<i32>} : memref<112x144xf32, #tpu.memory_space<vmem>>, vector<1x16xf32>,
      %swap3A_75 = arith.index_cast %add3A_40 : i32 to index
      %swap3A_76 = arith.constant 112 : index
      %swap3A_77 = tpu.vector_load %arg8[%swap3A_75, %swap3A_76] {strides = array<i32>} : memref<112x144xf32, #tpu.memory_space<vmem>>, vector<1x16xf32>,
      %swap3A_78 = vector.shape_cast %swap3A_77 : vector<1x16xf32> to vector<16xf32>
      %swap3A_79 = vector.shape_cast %broadcast_in_dim3A_3 : vector<16xf32> to vector<1x16xf32>
      tpu.vector_store %arg8[%swap3A_75, %swap3A_76], %swap3A_79 {strides = array<i32>} : memref<112x144xf32, #tpu.memory_space<vmem>>, vector<1x16xf32>,
      %swap3A_80 = arith.index_cast %add3A_40 : i32 to index
      %swap3A_81 = arith.constant 128 : index
      %swap3A_82 = tpu.vector_load %arg8[%swap3A_80, %swap3A_81] {strides = array<i32>} : memref<112x144xf32, #tpu.memory_space<vmem>>, vector<1x16xf32>,
      %swap3A_83 = vector.shape_cast %swap3A_82 : vector<1x16xf32> to vector<16xf32>
      %swap3A_84 = vector.shape_cast %broadcast_in_dim3A_3 : vector<16xf32> to vector<1x16xf32>
      tpu.vector_store %arg8[%swap3A_80, %swap3A_81], %swap3A_84 {strides = array<i32>} : memref<112x144xf32, #tpu.memory_space<vmem>>, vector<1x16xf32>,
    }
    %scan3A_7 = arith.constant 112 : i32
    %mul3A_8 = arith.constant 625 : i32
    %mul3A_9 = arith.muli %arg1, %mul3A_8 : i32
    %scan3A_10 = arith.constant 0 : i32
    %scan3A_11 = arith.constant 5 : i32
    %scan3A_12 = arith.addi %scan3A_10, %scan3A_11 : i32
    %scan3A_13 = arith.constant 1 : i32
    scf.for %scan3A_36 = %scan3A_10 to %scan3A_12 step %scan3A_13  : i32 {
      %mul3A_37 = arith.constant 1 : i32
      %mul3A_38 = arith.muli %scan3A_36, %mul3A_37 : i32
      %add3A_39 = arith.constant 0 : i32
      %add3A_40 = arith.addi %add3A_39, %mul3A_38 : i32
      %mul3A_41 = arith.constant 112 : i32
      %mul3A_42 = arith.muli %add3A_40, %mul3A_41 : i32
      %add3A_43 = arith.addi %mul3A_9, %mul3A_42 : i32
      "tpu.region"() ({
        %run_scoped3A = tpu.sem_alloc : memref<!tpu.dma_semaphore, #tpu.memory_space<semaphore_mem>>
        %dma_start3A = arith.constant 0 : i32
        %dma_start3A_44 = tpu.memref_slice %arg9[%add3A_43, %dma_start3A] : memref<10000x144xf32, #tpu.memory_space<vmem_shared>> -> memref<112x144xf32, #tpu.memory_space<vmem_shared>>
        %dma_start3A_45 = arith.constant 0 : i32
        %dma_start3A_46 = tpu.memref_slice %arg9[%add3A_43, %dma_start3A_45] : memref<10000x144xf32, #tpu.memory_space<vmem_shared>> -> memref<112x144xf32, #tpu.memory_space<vmem_shared>>
        tpu.enqueue_dma source(%arg8 : memref<112x144xf32, #tpu.memory_space<vmem>>) target(%dma_start3A_46 : memref<112x144xf32, #tpu.memory_space<vmem_shared>>) target_semaphore(%run_scoped3A : memref<!tpu.dma_semaphore, #tpu.memory_space<semaphore_mem>>)
        %dma_wait3A = arith.constant 0 : i32
        %dma_wait3A_47 = tpu.memref_slice %arg9[%add3A_43, %dma_wait3A] : memref<10000x144xf32, #tpu.memory_space<vmem_shared>> -> memref<112x144xf32, #tpu.memory_space<vmem_shared>>
        %dma_wait3A_48 = arith.constant 0 : i32
        %dma_wait3A_49 = tpu.memref_slice %arg9[%add3A_43, %dma_wait3A_48] : memref<10000x144xf32, #tpu.memory_space<vmem_shared>> -> memref<112x144xf32, #tpu.memory_space<vmem_shared>>
        tpu.wait_dma2 semaphore(%run_scoped3A : memref<!tpu.dma_semaphore, #tpu.memory_space<semaphore_mem>>) src(%arg8 : memref<112x144xf32, #tpu.memory_space<vmem>>) dst(%dma_wait3A_49 : memref<112x144xf32, #tpu.memory_space<vmem_shared>>)
        tpu.yield
      }) : () -> ()
    }
    %scan3A_14 = arith.constant 5 : i32
    %add3A_15 = arith.constant 625 : i32
    %add3A_16 = arith.addi %mul3A_9, %add3A_15 : i32
    %sub3A = arith.constant 65 : i32
    %sub3A_17 = arith.subi %add3A_16, %sub3A : i32
    "tpu.region"() ({
      %run_scoped3A = tpu.sem_alloc : memref<!tpu.dma_semaphore, #tpu.memory_space<semaphore_mem>>
      %dma_start3A = arith.constant 0 : i32
      %dma_start3A_36 = arith.constant 0 : i32
      %dma_start3A_37 = tpu.memref_slice %arg8[%dma_start3A, %dma_start3A_36] : memref<112x144xf32, #tpu.memory_space<vmem>> -> memref<65x144xf32, #tpu.memory_space<vmem>>
      %dma_start3A_38 = arith.constant 0 : i32
      %dma_start3A_39 = tpu.memref_slice %arg9[%sub3A_17, %dma_start3A_38] : memref<10000x144xf32, #tpu.memory_space<vmem_shared>> -> memref<65x144xf32, #tpu.memory_space<vmem_shared>>
      %dma_start3A_40 = arith.constant 0 : i32
      %dma_start3A_41 = tpu.memref_slice %arg9[%sub3A_17, %dma_start3A_40] : memref<10000x144xf32, #tpu.memory_space<vmem_shared>> -> memref<65x144xf32, #tpu.memory_space<vmem_shared>>
      %dma_start3A_42 = arith.constant 0 : i32
      %dma_start3A_43 = arith.constant 0 : i32
      %dma_start3A_44 = tpu.memref_slice %arg8[%dma_start3A_42, %dma_start3A_43] : memref<112x144xf32, #tpu.memory_space<vmem>> -> memref<65x144xf32, #tpu.memory_space<vmem>>
      tpu.enqueue_dma source(%dma_start3A_44 : memref<65x144xf32, #tpu.memory_space<vmem>>) target(%dma_start3A_41 : memref<65x144xf32, #tpu.memory_space<vmem_shared>>) target_semaphore(%run_scoped3A : memref<!tpu.dma_semaphore, #tpu.memory_space<semaphore_mem>>)
      %dma_wait3A = arith.constant 0 : i32
      %dma_wait3A_45 = arith.constant 0 : i32
      %dma_wait3A_46 = tpu.memref_slice %arg8[%dma_wait3A, %dma_wait3A_45] : memref<112x144xf32, #tpu.memory_space<vmem>> -> memref<65x144xf32, #tpu.memory_space<vmem>>
      %dma_wait3A_47 = arith.constant 0 : i32
      %dma_wait3A_48 = tpu.memref_slice %arg9[%sub3A_17, %dma_wait3A_47] : memref<10000x144xf32, #tpu.memory_space<vmem_shared>> -> memref<65x144xf32, #tpu.memory_space<vmem_shared>>
      %dma_wait3A_49 = arith.constant 0 : i32
      %dma_wait3A_50 = tpu.memref_slice %arg9[%sub3A_17, %dma_wait3A_49] : memref<10000x144xf32, #tpu.memory_space<vmem_shared>> -> memref<65x144xf32, #tpu.memory_space<vmem_shared>>
      %dma_wait3A_51 = arith.constant 0 : i32
      %dma_wait3A_52 = arith.constant 0 : i32
      %dma_wait3A_53 = tpu.memref_slice %arg8[%dma_wait3A_51, %dma_wait3A_52] : memref<112x144xf32, #tpu.memory_space<vmem>> -> memref<65x144xf32, #tpu.memory_space<vmem>>
      tpu.wait_dma2 semaphore(%run_scoped3A : memref<!tpu.dma_semaphore, #tpu.memory_space<semaphore_mem>>) src(%dma_wait3A_53 : memref<65x144xf32, #tpu.memory_space<vmem>>) dst(%dma_wait3A_50 : memref<65x144xf32, #tpu.memory_space<vmem_shared>>)
      tpu.yield
    }) : () -> ()
    "tpu.region"() ({
      %run_scoped3A = tpu.sem_alloc : memref<!tpu.dma_semaphore, #tpu.memory_space<semaphore_mem>>
      %dma_start3A = arith.constant 0 : i32
      %dma_start3A_36 = arith.constant 0 : i32
      %dma_start3A_37 = tpu.memref_slice %arg3[%add3A, %dma_start3A, %dma_start3A_36] : memref<32x111x112xi32, #tpu.memory_space<hbm>> -> memref<1x111x112xi32, #tpu.memory_space<hbm>>
      %dma_start3A_38 = tpu.memref_squeeze %dma_start3A_37 : memref<1x111x112xi32, #tpu.memory_space<hbm>> -> memref<111x112xi32, #tpu.memory_space<hbm>>
      %dma_start3A_39 = arith.constant 0 : i32
      %dma_start3A_40 = arith.constant 0 : i32
      %dma_start3A_41 = tpu.memref_slice %arg3[%add3A, %dma_start3A_39, %dma_start3A_40] : memref<32x111x112xi32, #tpu.memory_space<hbm>> -> memref<1x111x112xi32, #tpu.memory_space<hbm>>
      %dma_start3A_42 = tpu.memref_squeeze %dma_start3A_41 : memref<1x111x112xi32, #tpu.memory_space<hbm>> -> memref<111x112xi32, #tpu.memory_space<hbm>>
      tpu.enqueue_dma source(%dma_start3A_42 : memref<111x112xi32, #tpu.memory_space<hbm>>) target(%arg6 : memref<111x112xi32, #tpu.memory_space<vmem>>) target_semaphore(%run_scoped3A : memref<!tpu.dma_semaphore, #tpu.memory_space<semaphore_mem>>)
      %dma_wait3A = arith.constant 0 : i32
      %dma_wait3A_43 = arith.constant 0 : i32
      %dma_wait3A_44 = tpu.memref_slice %arg3[%add3A, %dma_wait3A, %dma_wait3A_43] : memref<32x111x112xi32, #tpu.memory_space<hbm>> -> memref<1x111x112xi32, #tpu.memory_space<hbm>>
      %dma_wait3A_45 = tpu.memref_squeeze %dma_wait3A_44 : memref<1x111x112xi32, #tpu.memory_space<hbm>> -> memref<111x112xi32, #tpu.memory_space<hbm>>
      %dma_wait3A_46 = arith.constant 0 : i32
      %dma_wait3A_47 = arith.constant 0 : i32
      %dma_wait3A_48 = tpu.memref_slice %arg3[%add3A, %dma_wait3A_46, %dma_wait3A_47] : memref<32x111x112xi32, #tpu.memory_space<hbm>> -> memref<1x111x112xi32, #tpu.memory_space<hbm>>
      %dma_wait3A_49 = tpu.memref_squeeze %dma_wait3A_48 : memref<1x111x112xi32, #tpu.memory_space<hbm>> -> memref<111x112xi32, #tpu.memory_space<hbm>>
      tpu.wait_dma2 semaphore(%run_scoped3A : memref<!tpu.dma_semaphore, #tpu.memory_space<semaphore_mem>>) src(%dma_wait3A_49 : memref<111x112xi32, #tpu.memory_space<hbm>>) dst(%arg6 : memref<111x112xi32, #tpu.memory_space<vmem>>)
      tpu.yield
    }) : () -> ()
    "tpu.region"() ({
      %run_scoped3A = tpu.sem_alloc : memref<!tpu.dma_semaphore, #tpu.memory_space<semaphore_mem>>
      %dma_start3A = arith.constant 0 : i32
      %dma_start3A_36 = arith.constant 0 : i32
      %dma_start3A_37 = tpu.memref_slice %arg4[%add3A, %dma_start3A, %dma_start3A_36] : memref<32x111x112xi32, #tpu.memory_space<hbm>> -> memref<1x111x112xi32, #tpu.memory_space<hbm>>
      %dma_start3A_38 = tpu.memref_squeeze %dma_start3A_37 : memref<1x111x112xi32, #tpu.memory_space<hbm>> -> memref<111x112xi32, #tpu.memory_space<hbm>>
      %dma_start3A_39 = arith.constant 0 : i32
      %dma_start3A_40 = arith.constant 0 : i32
      %dma_start3A_41 = tpu.memref_slice %arg4[%add3A, %dma_start3A_39, %dma_start3A_40] : memref<32x111x112xi32, #tpu.memory_space<hbm>> -> memref<1x111x112xi32, #tpu.memory_space<hbm>>
      %dma_start3A_42 = tpu.memref_squeeze %dma_start3A_41 : memref<1x111x112xi32, #tpu.memory_space<hbm>> -> memref<111x112xi32, #tpu.memory_space<hbm>>
      tpu.enqueue_dma source(%dma_start3A_42 : memref<111x112xi32, #tpu.memory_space<hbm>>) target(%arg7 : memref<111x112xi32, #tpu.memory_space<vmem>>) target_semaphore(%run_scoped3A : memref<!tpu.dma_semaphore, #tpu.memory_space<semaphore_mem>>)
      %dma_wait3A = arith.constant 0 : i32
      %dma_wait3A_43 = arith.constant 0 : i32
      %dma_wait3A_44 = tpu.memref_slice %arg4[%add3A, %dma_wait3A, %dma_wait3A_43] : memref<32x111x112xi32, #tpu.memory_space<hbm>> -> memref<1x111x112xi32, #tpu.memory_space<hbm>>
      %dma_wait3A_45 = tpu.memref_squeeze %dma_wait3A_44 : memref<1x111x112xi32, #tpu.memory_space<hbm>> -> memref<111x112xi32, #tpu.memory_space<hbm>>
      %dma_wait3A_46 = arith.constant 0 : i32
      %dma_wait3A_47 = arith.constant 0 : i32
      %dma_wait3A_48 = tpu.memref_slice %arg4[%add3A, %dma_wait3A_46, %dma_wait3A_47] : memref<32x111x112xi32, #tpu.memory_space<hbm>> -> memref<1x111x112xi32, #tpu.memory_space<hbm>>
      %dma_wait3A_49 = tpu.memref_squeeze %dma_wait3A_48 : memref<1x111x112xi32, #tpu.memory_space<hbm>> -> memref<111x112xi32, #tpu.memory_space<hbm>>
      tpu.wait_dma2 semaphore(%run_scoped3A : memref<!tpu.dma_semaphore, #tpu.memory_space<semaphore_mem>>) src(%dma_wait3A_49 : memref<111x112xi32, #tpu.memory_space<hbm>>) dst(%arg7 : memref<111x112xi32, #tpu.memory_space<vmem>>)
      tpu.yield
    }) : () -> ()
    %barrier3A = arith.constant 0 : index
    tpu.barrier barrier_id(%barrier3A)
    %sub3A_18 = arith.constant 0 : i32
    %sub3A_19 = arith.subi %select_n3A, %sub3A_18 : i32
    %sub3A_20 = arith.constant 1 : i32
    %sub3A_21 = arith.constant 1 : i32
    %sub3A_22 = arith.subi %sub3A_20, %sub3A_21 : i32
    %add3A_23 = arith.addi %sub3A_19, %sub3A_22 : i32
    %div3A = arith.constant 1 : i32
    %div3A_24 = arith.divsi %add3A_23, %div3A : i32
    %while3A = arith.constant 1 : i32
    %while3A_25 = arith.constant 0 : i32
    %while3A_26 = arith.constant 0 : i32
    %while3A_27 = arith.subi %div3A_24, %while3A_26 : i32
    %while3A_28 = arith.addi %while3A_26, %while3A_27 : i32
    %while3A_29 = arith.constant 1 : i32
    %while3A_30 = arith.divsi %while3A_27, %while3A_29 : i32
    %while3A_31 = arith.muli %while3A_30, %while3A_29 : i32
    %while3A_32 = arith.addi %while3A_26, %while3A_31 : i32
    %while3A_33 = arith.constant 1 : i32
    scf.for %while3A_36 = %while3A_26 to %while3A_32 step %while3A_33  : i32 {
      %mul3A_37 = arith.muli %while3A_36, %while3A : i32
      %add3A_38 = arith.addi %while3A_25, %mul3A_37 : i32
      %dma_start3A = arith.constant 0 : i32
      %dma_start3A_39 = tpu.memref_slice %arg6[%add3A_38, %dma_start3A] : memref<111x112xi32, #tpu.memory_space<vmem>> -> memref<1x112xi32, #tpu.memory_space<vmem>>
      %dma_start3A_40 = tpu.memref_squeeze %dma_start3A_39 : memref<1x112xi32, #tpu.memory_space<vmem>> -> memref<112xi32, #tpu.memory_space<vmem>>
      %dma_start3A_41 = arith.constant 0 : i32
      %dma_start3A_42 = arith.constant 0 : i32
      %dma_start3A_43 = tpu.memref_slice %arg2[%dma_start3A_41, %dma_start3A_42] : memref<10016x144xf32, #tpu.memory_space<hbm>> -> memref<10016x144xf32, #tpu.memory_space<hbm>>
      tpu.enqueue_indirect_dma source(%dma_start3A_43 : memref<10016x144xf32, #tpu.memory_space<hbm>>) target(%arg8 : memref<112x144xf32, #tpu.memory_space<vmem>>) offsets(%dma_start3A_40 : memref<112xi32, #tpu.memory_space<vmem>>) semaphore(%arg10 : memref<!tpu.dma_semaphore, #tpu.memory_space<semaphore_mem>>)
      %dma_wait3A = arith.constant 0 : i32
      %dma_wait3A_44 = tpu.memref_slice %arg6[%add3A_38, %dma_wait3A] : memref<111x112xi32, #tpu.memory_space<vmem>> -> memref<1x112xi32, #tpu.memory_space<vmem>>
      %dma_wait3A_45 = tpu.memref_squeeze %dma_wait3A_44 : memref<1x112xi32, #tpu.memory_space<vmem>> -> memref<112xi32, #tpu.memory_space<vmem>>
      %dma_wait3A_46 = arith.constant 0 : i32
      %dma_wait3A_47 = arith.constant 0 : i32
      %dma_wait3A_48 = tpu.memref_slice %arg2[%dma_wait3A_46, %dma_wait3A_47] : memref<10016x144xf32, #tpu.memory_space<hbm>> -> memref<10016x144xf32, #tpu.memory_space<hbm>>
      tpu.wait_indirect_dma semaphore(%arg10 : memref<!tpu.dma_semaphore, #tpu.memory_space<semaphore_mem>>) src(%dma_wait3A_48 : memref<10016x144xf32, #tpu.memory_space<hbm>>) dst(%arg8 : memref<112x144xf32, #tpu.memory_space<vmem>>)
      "tpu.region"() ({
        %run_scoped3A = tpu.sem_alloc : memref<!tpu.dma_semaphore, #tpu.memory_space<semaphore_mem>>
        %dma_start3A_49 = arith.constant 0 : i32
        %dma_start3A_50 = tpu.memref_slice %arg7[%add3A_38, %dma_start3A_49] : memref<111x112xi32, #tpu.memory_space<vmem>> -> memref<1x112xi32, #tpu.memory_space<vmem>>
        %dma_start3A_51 = tpu.memref_squeeze %dma_start3A_50 : memref<1x112xi32, #tpu.memory_space<vmem>> -> memref<112xi32, #tpu.memory_space<vmem>>
        %dma_start3A_52 = arith.constant 0 : i32
        %dma_start3A_53 = arith.constant 0 : i32
        %dma_start3A_54 = tpu.memref_slice %arg9[%dma_start3A_52, %dma_start3A_53] : memref<10000x144xf32, #tpu.memory_space<vmem_shared>> -> memref<10000x144xf32, #tpu.memory_space<vmem_shared>>
        tpu.enqueue_indirect_dma source(%arg8 : memref<112x144xf32, #tpu.memory_space<vmem>>) target(%dma_start3A_54 : memref<10000x144xf32, #tpu.memory_space<vmem_shared>>) offsets(%dma_start3A_51 : memref<112xi32, #tpu.memory_space<vmem>>) semaphore(%run_scoped3A : memref<!tpu.dma_semaphore, #tpu.memory_space<semaphore_mem>>) {add = true}
        %dma_wait3A_55 = arith.constant 0 : i32
        %dma_wait3A_56 = tpu.memref_slice %arg7[%add3A_38, %dma_wait3A_55] : memref<111x112xi32, #tpu.memory_space<vmem>> -> memref<1x112xi32, #tpu.memory_space<vmem>>
        %dma_wait3A_57 = tpu.memref_squeeze %dma_wait3A_56 : memref<1x112xi32, #tpu.memory_space<vmem>> -> memref<112xi32, #tpu.memory_space<vmem>>
        %dma_wait3A_58 = arith.constant 0 : i32
        %dma_wait3A_59 = arith.constant 0 : i32
        %dma_wait3A_60 = tpu.memref_slice %arg9[%dma_wait3A_58, %dma_wait3A_59] : memref<10000x144xf32, #tpu.memory_space<vmem_shared>> -> memref<10000x144xf32, #tpu.memory_space<vmem_shared>>
        tpu.wait_indirect_dma semaphore(%run_scoped3A : memref<!tpu.dma_semaphore, #tpu.memory_space<semaphore_mem>>) src(%arg8 : memref<112x144xf32, #tpu.memory_space<vmem>>) dst(%dma_wait3A_60 : memref<10000x144xf32, #tpu.memory_space<vmem_shared>>)
        tpu.yield
      }) : () -> ()
    }
    %while3A_34 = arith.constant 1 : i32
    scf.for %while3A_36 = %while3A_32 to %while3A_28 step %while3A_34  : i32 {
      %mul3A_37 = arith.muli %while3A_36, %while3A : i32
      %add3A_38 = arith.addi %while3A_25, %mul3A_37 : i32
      %dma_start3A = arith.constant 0 : i32
      %dma_start3A_39 = tpu.memref_slice %arg6[%add3A_38, %dma_start3A] : memref<111x112xi32, #tpu.memory_space<vmem>> -> memref<1x112xi32, #tpu.memory_space<vmem>>
      %dma_start3A_40 = tpu.memref_squeeze %dma_start3A_39 : memref<1x112xi32, #tpu.memory_space<vmem>> -> memref<112xi32, #tpu.memory_space<vmem>>
      %dma_start3A_41 = arith.constant 0 : i32
      %dma_start3A_42 = arith.constant 0 : i32
      %dma_start3A_43 = tpu.memref_slice %arg2[%dma_start3A_41, %dma_start3A_42] : memref<10016x144xf32, #tpu.memory_space<hbm>> -> memref<10016x144xf32, #tpu.memory_space<hbm>>
      tpu.enqueue_indirect_dma source(%dma_start3A_43 : memref<10016x144xf32, #tpu.memory_space<hbm>>) target(%arg8 : memref<112x144xf32, #tpu.memory_space<vmem>>) offsets(%dma_start3A_40 : memref<112xi32, #tpu.memory_space<vmem>>) semaphore(%arg10 : memref<!tpu.dma_semaphore, #tpu.memory_space<semaphore_mem>>)
      %dma_wait3A = arith.constant 0 : i32
      %dma_wait3A_44 = tpu.memref_slice %arg6[%add3A_38, %dma_wait3A] : memref<111x112xi32, #tpu.memory_space<vmem>> -> memref<1x112xi32, #tpu.memory_space<vmem>>
      %dma_wait3A_45 = tpu.memref_squeeze %dma_wait3A_44 : memref<1x112xi32, #tpu.memory_space<vmem>> -> memref<112xi32, #tpu.memory_space<vmem>>
      %dma_wait3A_46 = arith.constant 0 : i32
      %dma_wait3A_47 = arith.constant 0 : i32
      %dma_wait3A_48 = tpu.memref_slice %arg2[%dma_wait3A_46, %dma_wait3A_47] : memref<10016x144xf32, #tpu.memory_space<hbm>> -> memref<10016x144xf32, #tpu.memory_space<hbm>>
      tpu.wait_indirect_dma semaphore(%arg10 : memref<!tpu.dma_semaphore, #tpu.memory_space<semaphore_mem>>) src(%dma_wait3A_48 : memref<10016x144xf32, #tpu.memory_space<hbm>>) dst(%arg8 : memref<112x144xf32, #tpu.memory_space<vmem>>)
      "tpu.region"() ({
        %run_scoped3A = tpu.sem_alloc : memref<!tpu.dma_semaphore, #tpu.memory_space<semaphore_mem>>
        %dma_start3A_49 = arith.constant 0 : i32
        %dma_start3A_50 = tpu.memref_slice %arg7[%add3A_38, %dma_start3A_49] : memref<111x112xi32, #tpu.memory_space<vmem>> -> memref<1x112xi32, #tpu.memory_space<vmem>>
        %dma_start3A_51 = tpu.memref_squeeze %dma_start3A_50 : memref<1x112xi32, #tpu.memory_space<vmem>> -> memref<112xi32, #tpu.memory_space<vmem>>
        %dma_start3A_52 = arith.constant 0 : i32
        %dma_start3A_53 = arith.constant 0 : i32
        %dma_start3A_54 = tpu.memref_slice %arg9[%dma_start3A_52, %dma_start3A_53] : memref<10000x144xf32, #tpu.memory_space<vmem_shared>> -> memref<10000x144xf32, #tpu.memory_space<vmem_shared>>
        tpu.enqueue_indirect_dma source(%arg8 : memref<112x144xf32, #tpu.memory_space<vmem>>) target(%dma_start3A_54 : memref<10000x144xf32, #tpu.memory_space<vmem_shared>>) offsets(%dma_start3A_51 : memref<112xi32, #tpu.memory_space<vmem>>) semaphore(%run_scoped3A : memref<!tpu.dma_semaphore, #tpu.memory_space<semaphore_mem>>) {add = true}
        %dma_wait3A_55 = arith.constant 0 : i32
        %dma_wait3A_56 = tpu.memref_slice %arg7[%add3A_38, %dma_wait3A_55] : memref<111x112xi32, #tpu.memory_space<vmem>> -> memref<1x112xi32, #tpu.memory_space<vmem>>
        %dma_wait3A_57 = tpu.memref_squeeze %dma_wait3A_56 : memref<1x112xi32, #tpu.memory_space<vmem>> -> memref<112xi32, #tpu.memory_space<vmem>>
        %dma_wait3A_58 = arith.constant 0 : i32
        %dma_wait3A_59 = arith.constant 0 : i32
        %dma_wait3A_60 = tpu.memref_slice %arg9[%dma_wait3A_58, %dma_wait3A_59] : memref<10000x144xf32, #tpu.memory_space<vmem_shared>> -> memref<10000x144xf32, #tpu.memory_space<vmem_shared>>
        tpu.wait_indirect_dma semaphore(%run_scoped3A : memref<!tpu.dma_semaphore, #tpu.memory_space<semaphore_mem>>) src(%arg8 : memref<112x144xf32, #tpu.memory_space<vmem>>) dst(%dma_wait3A_60 : memref<10000x144xf32, #tpu.memory_space<vmem_shared>>)
        tpu.yield
      }) : () -> ()
    }
    %barrier3A_35 = arith.constant 0 : index
    tpu.barrier barrier_id(%barrier3A_35)
    "tpu.region"() ({
      %run_scoped3A = tpu.sem_alloc : memref<!tpu.dma_semaphore, #tpu.memory_space<semaphore_mem>>
      %dma_start3A = arith.constant 0 : i32
      %dma_start3A_36 = tpu.memref_slice %arg5[%arg0, %mul3A_9, %dma_start3A] : memref<2x10000x144xf32, #tpu.memory_space<hbm>> -> memref<1x625x144xf32, #tpu.memory_space<hbm>>
      %dma_start3A_37 = tpu.memref_squeeze %dma_start3A_36 : memref<1x625x144xf32, #tpu.memory_space<hbm>> -> memref<625x144xf32, #tpu.memory_space<hbm>>
      %dma_start3A_38 = arith.constant 0 : i32
      %dma_start3A_39 = tpu.memref_slice %arg9[%mul3A_9, %dma_start3A_38] : memref<10000x144xf32, #tpu.memory_space<vmem_shared>> -> memref<625x144xf32, #tpu.memory_space<vmem_shared>>
      tpu.enqueue_dma source(%dma_start3A_39 : memref<625x144xf32, #tpu.memory_space<vmem_shared>>) target(%dma_start3A_37 : memref<625x144xf32, #tpu.memory_space<hbm>>) target_semaphore(%run_scoped3A : memref<!tpu.dma_semaphore, #tpu.memory_space<semaphore_mem>>)
      %dma_wait3A = arith.constant 0 : i32
      %dma_wait3A_40 = tpu.memref_slice %arg5[%arg0, %mul3A_9, %dma_wait3A] : memref<2x10000x144xf32, #tpu.memory_space<hbm>> -> memref<1x625x144xf32, #tpu.memory_space<hbm>>
      %dma_wait3A_41 = tpu.memref_squeeze %dma_wait3A_40 : memref<1x625x144xf32, #tpu.memory_space<hbm>> -> memref<625x144xf32, #tpu.memory_space<hbm>>
      %dma_wait3A_42 = arith.constant 0 : i32
      %dma_wait3A_43 = tpu.memref_slice %arg9[%mul3A_9, %dma_wait3A_42] : memref<10000x144xf32, #tpu.memory_space<vmem_shared>> -> memref<625x144xf32, #tpu.memory_space<vmem_shared>>
      tpu.wait_dma2 semaphore(%run_scoped3A : memref<!tpu.dma_semaphore, #tpu.memory_space<semaphore_mem>>) src(%dma_wait3A_43 : memref<625x144xf32, #tpu.memory_space<vmem_shared>>) dst(%dma_wait3A_41 : memref<625x144xf32, #tpu.memory_space<hbm>>)
      tpu.yield
    }) : () -> ()
    return
  }
}

#map = affine_map<(d0, d1) -> (0, 0)>
#map1 = affine_map<(d0, d1) -> (0, 0, 0)>
module attributes {stable_mosaic.version = 14 : i64} {
  func.func @_sc_aggregate(%arg0: i32, %arg1: i32, %arg2: memref<10016x144xf32, #tpu.memory_space<hbm>>, %arg3: memref<32x111x112xi32, #tpu.memory_space<hbm>>, %arg4: memref<32x111x112xi32, #tpu.memory_space<hbm>>, %arg5: memref<2x10000x144xf32, #tpu.memory_space<hbm>>, %arg6: memref<111x112xi32, #tpu.memory_space<vmem>>, %arg7: memref<111x112xi32, #tpu.memory_space<vmem>>, %arg8: memref<112x144xf32, #tpu.memory_space<vmem>>, %arg9: memref<10000x144xf32, #tpu.memory_space<vmem_shared>>, %arg10: memref<!tpu.dma_semaphore, #tpu.memory_space<semaphore_mem>>) attributes {dimension_semantics = [#tpu.dimension_semantics<core_parallel>, #tpu.dimension_semantics<subcore_parallel>], iteration_bounds = array<i64: 2, 16>, scalar_prefetch = 0 : i64, scratch_operands = 5 : i64, tpu.core_type = #tpu.core_type<sc_vector_subcore>, window_params = [{transform_indices = #map}, {transform_indices = #map1}, {transform_indices = #map1}, {transform_indices = #map1}]} {
    %mul3A = arith.constant 2 : i32
    %mul3A_0 = arith.muli %arg1, %mul3A : i32
    %add3A = arith.addi %mul3A_0, %arg0 : i32
    %eq3A = arith.constant 0 : i32
    %eq3A_1 = arith.cmpi eq, %arg0, %eq3A : i32
    %jit3A = arith.constant 111 : i32
    %jit3A_2 = arith.constant 68 : i32
    %select_n3A = arith.select %eq3A_1, %jit3A, %jit3A_2 : i32
    %broadcast_in_dim3A = arith.constant 0.000000e+00 : f32
    %broadcast_in_dim3A_3 = vector.broadcast %broadcast_in_dim3A : f32 to vector<16xf32>
    %scan3A = arith.constant 0 : i32
    %scan3A_4 = arith.constant 112 : i32
    %scan3A_5 = arith.addi %scan3A, %scan3A_4 : i32
    %scan3A_6 = arith.constant 1 : i32
    scf.for %scan3A_36 = %scan3A to %scan3A_5 step %scan3A_6  : i32 {
      %mul3A_37 = arith.constant 1 : i32
      %mul3A_38 = arith.muli %scan3A_36, %mul3A_37 : i32
      %add3A_39 = arith.constant 0 : i32
      %add3A_40 = arith.addi %add3A_39, %mul3A_38 : i32
      %swap3A = arith.index_cast %add3A_40 : i32 to index
      %swap3A_41 = arith.constant 0 : index
      %swap3A_42 = tpu.vector_load %arg8[%swap3A, %swap3A_41] {strides = array<i32>} : memref<112x144xf32, #tpu.memory_space<vmem>>, vector<1x16xf32>,
      %swap3A_43 = vector.shape_cast %swap3A_42 : vector<1x16xf32> to vector<16xf32>
      %swap3A_44 = vector.shape_cast %broadcast_in_dim3A_3 : vector<16xf32> to vector<1x16xf32>
      tpu.vector_store %arg8[%swap3A, %swap3A_41], %swap3A_44 {strides = array<i32>} : memref<112x144xf32, #tpu.memory_space<vmem>>, vector<1x16xf32>,
      %swap3A_45 = arith.index_cast %add3A_40 : i32 to index
      %swap3A_46 = arith.constant 16 : index
      %swap3A_47 = tpu.vector_load %arg8[%swap3A_45, %swap3A_46] {strides = array<i32>} : memref<112x144xf32, #tpu.memory_space<vmem>>, vector<1x16xf32>,
      %swap3A_48 = vector.shape_cast %swap3A_47 : vector<1x16xf32> to vector<16xf32>
      %swap3A_49 = vector.shape_cast %broadcast_in_dim3A_3 : vector<16xf32> to vector<1x16xf32>
      tpu.vector_store %arg8[%swap3A_45, %swap3A_46], %swap3A_49 {strides = array<i32>} : memref<112x144xf32, #tpu.memory_space<vmem>>, vector<1x16xf32>,
      %swap3A_50 = arith.index_cast %add3A_40 : i32 to index
      %swap3A_51 = arith.constant 32 : index
      %swap3A_52 = tpu.vector_load %arg8[%swap3A_50, %swap3A_51] {strides = array<i32>} : memref<112x144xf32, #tpu.memory_space<vmem>>, vector<1x16xf32>,
      %swap3A_53 = vector.shape_cast %swap3A_52 : vector<1x16xf32> to vector<16xf32>
      %swap3A_54 = vector.shape_cast %broadcast_in_dim3A_3 : vector<16xf32> to vector<1x16xf32>
      tpu.vector_store %arg8[%swap3A_50, %swap3A_51], %swap3A_54 {strides = array<i32>} : memref<112x144xf32, #tpu.memory_space<vmem>>, vector<1x16xf32>,
      %swap3A_55 = arith.index_cast %add3A_40 : i32 to index
      %swap3A_56 = arith.constant 48 : index
      %swap3A_57 = tpu.vector_load %arg8[%swap3A_55, %swap3A_56] {strides = array<i32>} : memref<112x144xf32, #tpu.memory_space<vmem>>, vector<1x16xf32>,
      %swap3A_58 = vector.shape_cast %swap3A_57 : vector<1x16xf32> to vector<16xf32>
      %swap3A_59 = vector.shape_cast %broadcast_in_dim3A_3 : vector<16xf32> to vector<1x16xf32>
      tpu.vector_store %arg8[%swap3A_55, %swap3A_56], %swap3A_59 {strides = array<i32>} : memref<112x144xf32, #tpu.memory_space<vmem>>, vector<1x16xf32>,
      %swap3A_60 = arith.index_cast %add3A_40 : i32 to index
      %swap3A_61 = arith.constant 64 : index
      %swap3A_62 = tpu.vector_load %arg8[%swap3A_60, %swap3A_61] {strides = array<i32>} : memref<112x144xf32, #tpu.memory_space<vmem>>, vector<1x16xf32>,
      %swap3A_63 = vector.shape_cast %swap3A_62 : vector<1x16xf32> to vector<16xf32>
      %swap3A_64 = vector.shape_cast %broadcast_in_dim3A_3 : vector<16xf32> to vector<1x16xf32>
      tpu.vector_store %arg8[%swap3A_60, %swap3A_61], %swap3A_64 {strides = array<i32>} : memref<112x144xf32, #tpu.memory_space<vmem>>, vector<1x16xf32>,
      %swap3A_65 = arith.index_cast %add3A_40 : i32 to index
      %swap3A_66 = arith.constant 80 : index
      %swap3A_67 = tpu.vector_load %arg8[%swap3A_65, %swap3A_66] {strides = array<i32>} : memref<112x144xf32, #tpu.memory_space<vmem>>, vector<1x16xf32>,
      %swap3A_68 = vector.shape_cast %swap3A_67 : vector<1x16xf32> to vector<16xf32>
      %swap3A_69 = vector.shape_cast %broadcast_in_dim3A_3 : vector<16xf32> to vector<1x16xf32>
      tpu.vector_store %arg8[%swap3A_65, %swap3A_66], %swap3A_69 {strides = array<i32>} : memref<112x144xf32, #tpu.memory_space<vmem>>, vector<1x16xf32>,
      %swap3A_70 = arith.index_cast %add3A_40 : i32 to index
      %swap3A_71 = arith.constant 96 : index
      %swap3A_72 = tpu.vector_load %arg8[%swap3A_70, %swap3A_71] {strides = array<i32>} : memref<112x144xf32, #tpu.memory_space<vmem>>, vector<1x16xf32>,
      %swap3A_73 = vector.shape_cast %swap3A_72 : vector<1x16xf32> to vector<16xf32>
      %swap3A_74 = vector.shape_cast %broadcast_in_dim3A_3 : vector<16xf32> to vector<1x16xf32>
      tpu.vector_store %arg8[%swap3A_70, %swap3A_71], %swap3A_74 {strides = array<i32>} : memref<112x144xf32, #tpu.memory_space<vmem>>, vector<1x16xf32>,
      %swap3A_75 = arith.index_cast %add3A_40 : i32 to index
      %swap3A_76 = arith.constant 112 : index
      %swap3A_77 = tpu.vector_load %arg8[%swap3A_75, %swap3A_76] {strides = array<i32>} : memref<112x144xf32, #tpu.memory_space<vmem>>, vector<1x16xf32>,
      %swap3A_78 = vector.shape_cast %swap3A_77 : vector<1x16xf32> to vector<16xf32>
      %swap3A_79 = vector.shape_cast %broadcast_in_dim3A_3 : vector<16xf32> to vector<1x16xf32>
      tpu.vector_store %arg8[%swap3A_75, %swap3A_76], %swap3A_79 {strides = array<i32>} : memref<112x144xf32, #tpu.memory_space<vmem>>, vector<1x16xf32>,
      %swap3A_80 = arith.index_cast %add3A_40 : i32 to index
      %swap3A_81 = arith.constant 128 : index
      %swap3A_82 = tpu.vector_load %arg8[%swap3A_80, %swap3A_81] {strides = array<i32>} : memref<112x144xf32, #tpu.memory_space<vmem>>, vector<1x16xf32>,
      %swap3A_83 = vector.shape_cast %swap3A_82 : vector<1x16xf32> to vector<16xf32>
      %swap3A_84 = vector.shape_cast %broadcast_in_dim3A_3 : vector<16xf32> to vector<1x16xf32>
      tpu.vector_store %arg8[%swap3A_80, %swap3A_81], %swap3A_84 {strides = array<i32>} : memref<112x144xf32, #tpu.memory_space<vmem>>, vector<1x16xf32>,
    }
    %scan3A_7 = arith.constant 112 : i32
    %mul3A_8 = arith.constant 625 : i32
    %mul3A_9 = arith.muli %arg1, %mul3A_8 : i32
    %scan3A_10 = arith.constant 0 : i32
    %scan3A_11 = arith.constant 5 : i32
    %scan3A_12 = arith.addi %scan3A_10, %scan3A_11 : i32
    %scan3A_13 = arith.constant 1 : i32
    scf.for %scan3A_36 = %scan3A_10 to %scan3A_12 step %scan3A_13  : i32 {
      %mul3A_37 = arith.constant 1 : i32
      %mul3A_38 = arith.muli %scan3A_36, %mul3A_37 : i32
      %add3A_39 = arith.constant 0 : i32
      %add3A_40 = arith.addi %add3A_39, %mul3A_38 : i32
      %mul3A_41 = arith.constant 112 : i32
      %mul3A_42 = arith.muli %add3A_40, %mul3A_41 : i32
      %add3A_43 = arith.addi %mul3A_9, %mul3A_42 : i32
      "tpu.region"() ({
        %run_scoped3A = tpu.sem_alloc : memref<!tpu.dma_semaphore, #tpu.memory_space<semaphore_mem>>
        %dma_start3A = arith.constant 0 : i32
        %dma_start3A_44 = tpu.memref_slice %arg9[%add3A_43, %dma_start3A] : memref<10000x144xf32, #tpu.memory_space<vmem_shared>> -> memref<112x144xf32, #tpu.memory_space<vmem_shared>>
        %dma_start3A_45 = arith.constant 0 : i32
        %dma_start3A_46 = tpu.memref_slice %arg9[%add3A_43, %dma_start3A_45] : memref<10000x144xf32, #tpu.memory_space<vmem_shared>> -> memref<112x144xf32, #tpu.memory_space<vmem_shared>>
        tpu.enqueue_dma source(%arg8 : memref<112x144xf32, #tpu.memory_space<vmem>>) target(%dma_start3A_46 : memref<112x144xf32, #tpu.memory_space<vmem_shared>>) target_semaphore(%run_scoped3A : memref<!tpu.dma_semaphore, #tpu.memory_space<semaphore_mem>>)
        %dma_wait3A = arith.constant 0 : i32
        %dma_wait3A_47 = tpu.memref_slice %arg9[%add3A_43, %dma_wait3A] : memref<10000x144xf32, #tpu.memory_space<vmem_shared>> -> memref<112x144xf32, #tpu.memory_space<vmem_shared>>
        %dma_wait3A_48 = arith.constant 0 : i32
        %dma_wait3A_49 = tpu.memref_slice %arg9[%add3A_43, %dma_wait3A_48] : memref<10000x144xf32, #tpu.memory_space<vmem_shared>> -> memref<112x144xf32, #tpu.memory_space<vmem_shared>>
        tpu.wait_dma2 semaphore(%run_scoped3A : memref<!tpu.dma_semaphore, #tpu.memory_space<semaphore_mem>>) src(%arg8 : memref<112x144xf32, #tpu.memory_space<vmem>>) dst(%dma_wait3A_49 : memref<112x144xf32, #tpu.memory_space<vmem_shared>>)
        tpu.yield
      }) : () -> ()
    }
    %scan3A_14 = arith.constant 5 : i32
    %add3A_15 = arith.constant 625 : i32
    %add3A_16 = arith.addi %mul3A_9, %add3A_15 : i32
    %sub3A = arith.constant 65 : i32
    %sub3A_17 = arith.subi %add3A_16, %sub3A : i32
    "tpu.region"() ({
      %run_scoped3A = tpu.sem_alloc : memref<!tpu.dma_semaphore, #tpu.memory_space<semaphore_mem>>
      %dma_start3A = arith.constant 0 : i32
      %dma_start3A_36 = arith.constant 0 : i32
      %dma_start3A_37 = tpu.memref_slice %arg8[%dma_start3A, %dma_start3A_36] : memref<112x144xf32, #tpu.memory_space<vmem>> -> memref<65x144xf32, #tpu.memory_space<vmem>>
      %dma_start3A_38 = arith.constant 0 : i32
      %dma_start3A_39 = tpu.memref_slice %arg9[%sub3A_17, %dma_start3A_38] : memref<10000x144xf32, #tpu.memory_space<vmem_shared>> -> memref<65x144xf32, #tpu.memory_space<vmem_shared>>
      %dma_start3A_40 = arith.constant 0 : i32
      %dma_start3A_41 = tpu.memref_slice %arg9[%sub3A_17, %dma_start3A_40] : memref<10000x144xf32, #tpu.memory_space<vmem_shared>> -> memref<65x144xf32, #tpu.memory_space<vmem_shared>>
      %dma_start3A_42 = arith.constant 0 : i32
      %dma_start3A_43 = arith.constant 0 : i32
      %dma_start3A_44 = tpu.memref_slice %arg8[%dma_start3A_42, %dma_start3A_43] : memref<112x144xf32, #tpu.memory_space<vmem>> -> memref<65x144xf32, #tpu.memory_space<vmem>>
      tpu.enqueue_dma source(%dma_start3A_44 : memref<65x144xf32, #tpu.memory_space<vmem>>) target(%dma_start3A_41 : memref<65x144xf32, #tpu.memory_space<vmem_shared>>) target_semaphore(%run_scoped3A : memref<!tpu.dma_semaphore, #tpu.memory_space<semaphore_mem>>)
      %dma_wait3A = arith.constant 0 : i32
      %dma_wait3A_45 = arith.constant 0 : i32
      %dma_wait3A_46 = tpu.memref_slice %arg8[%dma_wait3A, %dma_wait3A_45] : memref<112x144xf32, #tpu.memory_space<vmem>> -> memref<65x144xf32, #tpu.memory_space<vmem>>
      %dma_wait3A_47 = arith.constant 0 : i32
      %dma_wait3A_48 = tpu.memref_slice %arg9[%sub3A_17, %dma_wait3A_47] : memref<10000x144xf32, #tpu.memory_space<vmem_shared>> -> memref<65x144xf32, #tpu.memory_space<vmem_shared>>
      %dma_wait3A_49 = arith.constant 0 : i32
      %dma_wait3A_50 = tpu.memref_slice %arg9[%sub3A_17, %dma_wait3A_49] : memref<10000x144xf32, #tpu.memory_space<vmem_shared>> -> memref<65x144xf32, #tpu.memory_space<vmem_shared>>
      %dma_wait3A_51 = arith.constant 0 : i32
      %dma_wait3A_52 = arith.constant 0 : i32
      %dma_wait3A_53 = tpu.memref_slice %arg8[%dma_wait3A_51, %dma_wait3A_52] : memref<112x144xf32, #tpu.memory_space<vmem>> -> memref<65x144xf32, #tpu.memory_space<vmem>>
      tpu.wait_dma2 semaphore(%run_scoped3A : memref<!tpu.dma_semaphore, #tpu.memory_space<semaphore_mem>>) src(%dma_wait3A_53 : memref<65x144xf32, #tpu.memory_space<vmem>>) dst(%dma_wait3A_50 : memref<65x144xf32, #tpu.memory_space<vmem_shared>>)
      tpu.yield
    }) : () -> ()
    "tpu.region"() ({
      %run_scoped3A = tpu.sem_alloc : memref<!tpu.dma_semaphore, #tpu.memory_space<semaphore_mem>>
      %dma_start3A = arith.constant 0 : i32
      %dma_start3A_36 = arith.constant 0 : i32
      %dma_start3A_37 = tpu.memref_slice %arg3[%add3A, %dma_start3A, %dma_start3A_36] : memref<32x111x112xi32, #tpu.memory_space<hbm>> -> memref<1x111x112xi32, #tpu.memory_space<hbm>>
      %dma_start3A_38 = tpu.memref_squeeze %dma_start3A_37 : memref<1x111x112xi32, #tpu.memory_space<hbm>> -> memref<111x112xi32, #tpu.memory_space<hbm>>
      %dma_start3A_39 = arith.constant 0 : i32
      %dma_start3A_40 = arith.constant 0 : i32
      %dma_start3A_41 = tpu.memref_slice %arg3[%add3A, %dma_start3A_39, %dma_start3A_40] : memref<32x111x112xi32, #tpu.memory_space<hbm>> -> memref<1x111x112xi32, #tpu.memory_space<hbm>>
      %dma_start3A_42 = tpu.memref_squeeze %dma_start3A_41 : memref<1x111x112xi32, #tpu.memory_space<hbm>> -> memref<111x112xi32, #tpu.memory_space<hbm>>
      tpu.enqueue_dma source(%dma_start3A_42 : memref<111x112xi32, #tpu.memory_space<hbm>>) target(%arg6 : memref<111x112xi32, #tpu.memory_space<vmem>>) target_semaphore(%run_scoped3A : memref<!tpu.dma_semaphore, #tpu.memory_space<semaphore_mem>>)
      %dma_wait3A = arith.constant 0 : i32
      %dma_wait3A_43 = arith.constant 0 : i32
      %dma_wait3A_44 = tpu.memref_slice %arg3[%add3A, %dma_wait3A, %dma_wait3A_43] : memref<32x111x112xi32, #tpu.memory_space<hbm>> -> memref<1x111x112xi32, #tpu.memory_space<hbm>>
      %dma_wait3A_45 = tpu.memref_squeeze %dma_wait3A_44 : memref<1x111x112xi32, #tpu.memory_space<hbm>> -> memref<111x112xi32, #tpu.memory_space<hbm>>
      %dma_wait3A_46 = arith.constant 0 : i32
      %dma_wait3A_47 = arith.constant 0 : i32
      %dma_wait3A_48 = tpu.memref_slice %arg3[%add3A, %dma_wait3A_46, %dma_wait3A_47] : memref<32x111x112xi32, #tpu.memory_space<hbm>> -> memref<1x111x112xi32, #tpu.memory_space<hbm>>
      %dma_wait3A_49 = tpu.memref_squeeze %dma_wait3A_48 : memref<1x111x112xi32, #tpu.memory_space<hbm>> -> memref<111x112xi32, #tpu.memory_space<hbm>>
      tpu.wait_dma2 semaphore(%run_scoped3A : memref<!tpu.dma_semaphore, #tpu.memory_space<semaphore_mem>>) src(%dma_wait3A_49 : memref<111x112xi32, #tpu.memory_space<hbm>>) dst(%arg6 : memref<111x112xi32, #tpu.memory_space<vmem>>)
      tpu.yield
    }) : () -> ()
    "tpu.region"() ({
      %run_scoped3A = tpu.sem_alloc : memref<!tpu.dma_semaphore, #tpu.memory_space<semaphore_mem>>
      %dma_start3A = arith.constant 0 : i32
      %dma_start3A_36 = arith.constant 0 : i32
      %dma_start3A_37 = tpu.memref_slice %arg4[%add3A, %dma_start3A, %dma_start3A_36] : memref<32x111x112xi32, #tpu.memory_space<hbm>> -> memref<1x111x112xi32, #tpu.memory_space<hbm>>
      %dma_start3A_38 = tpu.memref_squeeze %dma_start3A_37 : memref<1x111x112xi32, #tpu.memory_space<hbm>> -> memref<111x112xi32, #tpu.memory_space<hbm>>
      %dma_start3A_39 = arith.constant 0 : i32
      %dma_start3A_40 = arith.constant 0 : i32
      %dma_start3A_41 = tpu.memref_slice %arg4[%add3A, %dma_start3A_39, %dma_start3A_40] : memref<32x111x112xi32, #tpu.memory_space<hbm>> -> memref<1x111x112xi32, #tpu.memory_space<hbm>>
      %dma_start3A_42 = tpu.memref_squeeze %dma_start3A_41 : memref<1x111x112xi32, #tpu.memory_space<hbm>> -> memref<111x112xi32, #tpu.memory_space<hbm>>
      tpu.enqueue_dma source(%dma_start3A_42 : memref<111x112xi32, #tpu.memory_space<hbm>>) target(%arg7 : memref<111x112xi32, #tpu.memory_space<vmem>>) target_semaphore(%run_scoped3A : memref<!tpu.dma_semaphore, #tpu.memory_space<semaphore_mem>>)
      %dma_wait3A = arith.constant 0 : i32
      %dma_wait3A_43 = arith.constant 0 : i32
      %dma_wait3A_44 = tpu.memref_slice %arg4[%add3A, %dma_wait3A, %dma_wait3A_43] : memref<32x111x112xi32, #tpu.memory_space<hbm>> -> memref<1x111x112xi32, #tpu.memory_space<hbm>>
      %dma_wait3A_45 = tpu.memref_squeeze %dma_wait3A_44 : memref<1x111x112xi32, #tpu.memory_space<hbm>> -> memref<111x112xi32, #tpu.memory_space<hbm>>
      %dma_wait3A_46 = arith.constant 0 : i32
      %dma_wait3A_47 = arith.constant 0 : i32
      %dma_wait3A_48 = tpu.memref_slice %arg4[%add3A, %dma_wait3A_46, %dma_wait3A_47] : memref<32x111x112xi32, #tpu.memory_space<hbm>> -> memref<1x111x112xi32, #tpu.memory_space<hbm>>
      %dma_wait3A_49 = tpu.memref_squeeze %dma_wait3A_48 : memref<1x111x112xi32, #tpu.memory_space<hbm>> -> memref<111x112xi32, #tpu.memory_space<hbm>>
      tpu.wait_dma2 semaphore(%run_scoped3A : memref<!tpu.dma_semaphore, #tpu.memory_space<semaphore_mem>>) src(%dma_wait3A_49 : memref<111x112xi32, #tpu.memory_space<hbm>>) dst(%arg7 : memref<111x112xi32, #tpu.memory_space<vmem>>)
      tpu.yield
    }) : () -> ()
    %barrier3A = arith.constant 0 : index
    tpu.barrier barrier_id(%barrier3A)
    %sub3A_18 = arith.constant 0 : i32
    %sub3A_19 = arith.subi %select_n3A, %sub3A_18 : i32
    %sub3A_20 = arith.constant 1 : i32
    %sub3A_21 = arith.constant 1 : i32
    %sub3A_22 = arith.subi %sub3A_20, %sub3A_21 : i32
    %add3A_23 = arith.addi %sub3A_19, %sub3A_22 : i32
    %div3A = arith.constant 1 : i32
    %div3A_24 = arith.divsi %add3A_23, %div3A : i32
    %while3A = arith.constant 1 : i32
    %while3A_25 = arith.constant 0 : i32
    %while3A_26 = arith.constant 0 : i32
    %while3A_27 = arith.subi %div3A_24, %while3A_26 : i32
    %while3A_28 = arith.addi %while3A_26, %while3A_27 : i32
    %while3A_29 = arith.constant 1 : i32
    %while3A_30 = arith.divsi %while3A_27, %while3A_29 : i32
    %while3A_31 = arith.muli %while3A_30, %while3A_29 : i32
    %while3A_32 = arith.addi %while3A_26, %while3A_31 : i32
    %while3A_33 = arith.constant 1 : i32
    scf.for %while3A_36 = %while3A_26 to %while3A_32 step %while3A_33  : i32 {
      %mul3A_37 = arith.muli %while3A_36, %while3A : i32
      %add3A_38 = arith.addi %while3A_25, %mul3A_37 : i32
      %dma_start3A = arith.constant 0 : i32
      %dma_start3A_39 = tpu.memref_slice %arg6[%add3A_38, %dma_start3A] : memref<111x112xi32, #tpu.memory_space<vmem>> -> memref<1x112xi32, #tpu.memory_space<vmem>>
      %dma_start3A_40 = tpu.memref_squeeze %dma_start3A_39 : memref<1x112xi32, #tpu.memory_space<vmem>> -> memref<112xi32, #tpu.memory_space<vmem>>
      %dma_start3A_41 = arith.constant 0 : i32
      %dma_start3A_42 = arith.constant 0 : i32
      %dma_start3A_43 = tpu.memref_slice %arg2[%dma_start3A_41, %dma_start3A_42] : memref<10016x144xf32, #tpu.memory_space<hbm>> -> memref<10016x144xf32, #tpu.memory_space<hbm>>
      tpu.enqueue_indirect_dma source(%dma_start3A_43 : memref<10016x144xf32, #tpu.memory_space<hbm>>) target(%arg8 : memref<112x144xf32, #tpu.memory_space<vmem>>) offsets(%dma_start3A_40 : memref<112xi32, #tpu.memory_space<vmem>>) semaphore(%arg10 : memref<!tpu.dma_semaphore, #tpu.memory_space<semaphore_mem>>)
      %dma_wait3A = arith.constant 0 : i32
      %dma_wait3A_44 = tpu.memref_slice %arg6[%add3A_38, %dma_wait3A] : memref<111x112xi32, #tpu.memory_space<vmem>> -> memref<1x112xi32, #tpu.memory_space<vmem>>
      %dma_wait3A_45 = tpu.memref_squeeze %dma_wait3A_44 : memref<1x112xi32, #tpu.memory_space<vmem>> -> memref<112xi32, #tpu.memory_space<vmem>>
      %dma_wait3A_46 = arith.constant 0 : i32
      %dma_wait3A_47 = arith.constant 0 : i32
      %dma_wait3A_48 = tpu.memref_slice %arg2[%dma_wait3A_46, %dma_wait3A_47] : memref<10016x144xf32, #tpu.memory_space<hbm>> -> memref<10016x144xf32, #tpu.memory_space<hbm>>
      tpu.wait_indirect_dma semaphore(%arg10 : memref<!tpu.dma_semaphore, #tpu.memory_space<semaphore_mem>>) src(%dma_wait3A_48 : memref<10016x144xf32, #tpu.memory_space<hbm>>) dst(%arg8 : memref<112x144xf32, #tpu.memory_space<vmem>>)
      "tpu.region"() ({
        %run_scoped3A = tpu.sem_alloc : memref<!tpu.dma_semaphore, #tpu.memory_space<semaphore_mem>>
        %dma_start3A_49 = arith.constant 0 : i32
        %dma_start3A_50 = tpu.memref_slice %arg7[%add3A_38, %dma_start3A_49] : memref<111x112xi32, #tpu.memory_space<vmem>> -> memref<1x112xi32, #tpu.memory_space<vmem>>
        %dma_start3A_51 = tpu.memref_squeeze %dma_start3A_50 : memref<1x112xi32, #tpu.memory_space<vmem>> -> memref<112xi32, #tpu.memory_space<vmem>>
        %dma_start3A_52 = arith.constant 0 : i32
        %dma_start3A_53 = arith.constant 0 : i32
        %dma_start3A_54 = tpu.memref_slice %arg9[%dma_start3A_52, %dma_start3A_53] : memref<10000x144xf32, #tpu.memory_space<vmem_shared>> -> memref<10000x144xf32, #tpu.memory_space<vmem_shared>>
        tpu.enqueue_indirect_dma source(%arg8 : memref<112x144xf32, #tpu.memory_space<vmem>>) target(%dma_start3A_54 : memref<10000x144xf32, #tpu.memory_space<vmem_shared>>) offsets(%dma_start3A_51 : memref<112xi32, #tpu.memory_space<vmem>>) semaphore(%run_scoped3A : memref<!tpu.dma_semaphore, #tpu.memory_space<semaphore_mem>>) {add = true}
        %dma_wait3A_55 = arith.constant 0 : i32
        %dma_wait3A_56 = tpu.memref_slice %arg7[%add3A_38, %dma_wait3A_55] : memref<111x112xi32, #tpu.memory_space<vmem>> -> memref<1x112xi32, #tpu.memory_space<vmem>>
        %dma_wait3A_57 = tpu.memref_squeeze %dma_wait3A_56 : memref<1x112xi32, #tpu.memory_space<vmem>> -> memref<112xi32, #tpu.memory_space<vmem>>
        %dma_wait3A_58 = arith.constant 0 : i32
        %dma_wait3A_59 = arith.constant 0 : i32
        %dma_wait3A_60 = tpu.memref_slice %arg9[%dma_wait3A_58, %dma_wait3A_59] : memref<10000x144xf32, #tpu.memory_space<vmem_shared>> -> memref<10000x144xf32, #tpu.memory_space<vmem_shared>>
        tpu.wait_indirect_dma semaphore(%run_scoped3A : memref<!tpu.dma_semaphore, #tpu.memory_space<semaphore_mem>>) src(%arg8 : memref<112x144xf32, #tpu.memory_space<vmem>>) dst(%dma_wait3A_60 : memref<10000x144xf32, #tpu.memory_space<vmem_shared>>)
        tpu.yield
      }) : () -> ()
    }
    %while3A_34 = arith.constant 1 : i32
    scf.for %while3A_36 = %while3A_32 to %while3A_28 step %while3A_34  : i32 {
      %mul3A_37 = arith.muli %while3A_36, %while3A : i32
      %add3A_38 = arith.addi %while3A_25, %mul3A_37 : i32
      %dma_start3A = arith.constant 0 : i32
      %dma_start3A_39 = tpu.memref_slice %arg6[%add3A_38, %dma_start3A] : memref<111x112xi32, #tpu.memory_space<vmem>> -> memref<1x112xi32, #tpu.memory_space<vmem>>
      %dma_start3A_40 = tpu.memref_squeeze %dma_start3A_39 : memref<1x112xi32, #tpu.memory_space<vmem>> -> memref<112xi32, #tpu.memory_space<vmem>>
      %dma_start3A_41 = arith.constant 0 : i32
      %dma_start3A_42 = arith.constant 0 : i32
      %dma_start3A_43 = tpu.memref_slice %arg2[%dma_start3A_41, %dma_start3A_42] : memref<10016x144xf32, #tpu.memory_space<hbm>> -> memref<10016x144xf32, #tpu.memory_space<hbm>>
      tpu.enqueue_indirect_dma source(%dma_start3A_43 : memref<10016x144xf32, #tpu.memory_space<hbm>>) target(%arg8 : memref<112x144xf32, #tpu.memory_space<vmem>>) offsets(%dma_start3A_40 : memref<112xi32, #tpu.memory_space<vmem>>) semaphore(%arg10 : memref<!tpu.dma_semaphore, #tpu.memory_space<semaphore_mem>>)
      %dma_wait3A = arith.constant 0 : i32
      %dma_wait3A_44 = tpu.memref_slice %arg6[%add3A_38, %dma_wait3A] : memref<111x112xi32, #tpu.memory_space<vmem>> -> memref<1x112xi32, #tpu.memory_space<vmem>>
      %dma_wait3A_45 = tpu.memref_squeeze %dma_wait3A_44 : memref<1x112xi32, #tpu.memory_space<vmem>> -> memref<112xi32, #tpu.memory_space<vmem>>
      %dma_wait3A_46 = arith.constant 0 : i32
      %dma_wait3A_47 = arith.constant 0 : i32
      %dma_wait3A_48 = tpu.memref_slice %arg2[%dma_wait3A_46, %dma_wait3A_47] : memref<10016x144xf32, #tpu.memory_space<hbm>> -> memref<10016x144xf32, #tpu.memory_space<hbm>>
      tpu.wait_indirect_dma semaphore(%arg10 : memref<!tpu.dma_semaphore, #tpu.memory_space<semaphore_mem>>) src(%dma_wait3A_48 : memref<10016x144xf32, #tpu.memory_space<hbm>>) dst(%arg8 : memref<112x144xf32, #tpu.memory_space<vmem>>)
      "tpu.region"() ({
        %run_scoped3A = tpu.sem_alloc : memref<!tpu.dma_semaphore, #tpu.memory_space<semaphore_mem>>
        %dma_start3A_49 = arith.constant 0 : i32
        %dma_start3A_50 = tpu.memref_slice %arg7[%add3A_38, %dma_start3A_49] : memref<111x112xi32, #tpu.memory_space<vmem>> -> memref<1x112xi32, #tpu.memory_space<vmem>>
        %dma_start3A_51 = tpu.memref_squeeze %dma_start3A_50 : memref<1x112xi32, #tpu.memory_space<vmem>> -> memref<112xi32, #tpu.memory_space<vmem>>
        %dma_start3A_52 = arith.constant 0 : i32
        %dma_start3A_53 = arith.constant 0 : i32
        %dma_start3A_54 = tpu.memref_slice %arg9[%dma_start3A_52, %dma_start3A_53] : memref<10000x144xf32, #tpu.memory_space<vmem_shared>> -> memref<10000x144xf32, #tpu.memory_space<vmem_shared>>
        tpu.enqueue_indirect_dma source(%arg8 : memref<112x144xf32, #tpu.memory_space<vmem>>) target(%dma_start3A_54 : memref<10000x144xf32, #tpu.memory_space<vmem_shared>>) offsets(%dma_start3A_51 : memref<112xi32, #tpu.memory_space<vmem>>) semaphore(%run_scoped3A : memref<!tpu.dma_semaphore, #tpu.memory_space<semaphore_mem>>) {add = true}
        %dma_wait3A_55 = arith.constant 0 : i32
        %dma_wait3A_56 = tpu.memref_slice %arg7[%add3A_38, %dma_wait3A_55] : memref<111x112xi32, #tpu.memory_space<vmem>> -> memref<1x112xi32, #tpu.memory_space<vmem>>
        %dma_wait3A_57 = tpu.memref_squeeze %dma_wait3A_56 : memref<1x112xi32, #tpu.memory_space<vmem>> -> memref<112xi32, #tpu.memory_space<vmem>>
        %dma_wait3A_58 = arith.constant 0 : i32
        %dma_wait3A_59 = arith.constant 0 : i32
        %dma_wait3A_60 = tpu.memref_slice %arg9[%dma_wait3A_58, %dma_wait3A_59] : memref<10000x144xf32, #tpu.memory_space<vmem_shared>> -> memref<10000x144xf32, #tpu.memory_space<vmem_shared>>
        tpu.wait_indirect_dma semaphore(%run_scoped3A : memref<!tpu.dma_semaphore, #tpu.memory_space<semaphore_mem>>) src(%arg8 : memref<112x144xf32, #tpu.memory_space<vmem>>) dst(%dma_wait3A_60 : memref<10000x144xf32, #tpu.memory_space<vmem_shared>>)
        tpu.yield
      }) : () -> ()
    }
    %barrier3A_35 = arith.constant 0 : index
    tpu.barrier barrier_id(%barrier3A_35)
    "tpu.region"() ({
      %run_scoped3A = tpu.sem_alloc : memref<!tpu.dma_semaphore, #tpu.memory_space<semaphore_mem>>
      %dma_start3A = arith.constant 0 : i32
      %dma_start3A_36 = tpu.memref_slice %arg5[%arg0, %mul3A_9, %dma_start3A] : memref<2x10000x144xf32, #tpu.memory_space<hbm>> -> memref<1x625x144xf32, #tpu.memory_space<hbm>>
      %dma_start3A_37 = tpu.memref_squeeze %dma_start3A_36 : memref<1x625x144xf32, #tpu.memory_space<hbm>> -> memref<625x144xf32, #tpu.memory_space<hbm>>
      %dma_start3A_38 = arith.constant 0 : i32
      %dma_start3A_39 = tpu.memref_slice %arg9[%mul3A_9, %dma_start3A_38] : memref<10000x144xf32, #tpu.memory_space<vmem_shared>> -> memref<625x144xf32, #tpu.memory_space<vmem_shared>>
      tpu.enqueue_dma source(%dma_start3A_39 : memref<625x144xf32, #tpu.memory_space<vmem_shared>>) target(%dma_start3A_37 : memref<625x144xf32, #tpu.memory_space<hbm>>) target_semaphore(%run_scoped3A : memref<!tpu.dma_semaphore, #tpu.memory_space<semaphore_mem>>)
      %dma_wait3A = arith.constant 0 : i32
      %dma_wait3A_40 = tpu.memref_slice %arg5[%arg0, %mul3A_9, %dma_wait3A] : memref<2x10000x144xf32, #tpu.memory_space<hbm>> -> memref<1x625x144xf32, #tpu.memory_space<hbm>>
      %dma_wait3A_41 = tpu.memref_squeeze %dma_wait3A_40 : memref<1x625x144xf32, #tpu.memory_space<hbm>> -> memref<625x144xf32, #tpu.memory_space<hbm>>
      %dma_wait3A_42 = arith.constant 0 : i32
      %dma_wait3A_43 = tpu.memref_slice %arg9[%mul3A_9, %dma_wait3A_42] : memref<10000x144xf32, #tpu.memory_space<vmem_shared>> -> memref<625x144xf32, #tpu.memory_space<vmem_shared>>
      tpu.wait_dma2 semaphore(%run_scoped3A : memref<!tpu.dma_semaphore, #tpu.memory_space<semaphore_mem>>) src(%dma_wait3A_43 : memref<625x144xf32, #tpu.memory_space<vmem_shared>>) dst(%dma_wait3A_41 : memref<625x144xf32, #tpu.memory_space<hbm>>)
      tpu.yield
    }) : () -> ()
    return
  }
}

module attributes {stable_mosaic.version = 14 : i64} {
  func.func @_mlp_body(%arg0: i32, %arg1: memref<400x128xf32, #tpu.memory_space<vmem>>, %arg2: memref<2x400x144xf32, #tpu.memory_space<vmem>>, %arg3: memref<128x128xf32, #tpu.memory_space<vmem>>, %arg4: memref<1x128xf32, #tpu.memory_space<vmem>>, %arg5: memref<400x144xf32, #tpu.memory_space<vmem>>) attributes {dimension_semantics = [#tpu.dimension_semantics<arbitrary>], iteration_bounds = array<i64: 25>, scalar_prefetch = 0 : i64, scratch_operands = 0 : i64, tpu.core_type = #tpu.core_type<tc>, window_params = [{transform_indices = @transform_0, window_bounds = array<i64: 400, 128>}, {transform_indices = @transform_1, window_bounds = array<i64: 2, 400, 144>}, {pipeline_mode = #tpu.pipeline_mode<synchronous>, transform_indices = @transform_2, window_bounds = array<i64: 128, 128>}, {pipeline_mode = #tpu.pipeline_mode<synchronous>, transform_indices = @transform_3, window_bounds = array<i64: 1, 128>}, {transform_indices = @transform_4, window_bounds = array<i64: 400, 144>}]} {
    %get3A = arith.constant 0 : index
    %get3A_0 = arith.constant 0 : index
    %get3A_1 = arith.constant 0 : index
    %get3A_2 = vector.load %arg2[%get3A, %get3A_0, %get3A_1] : memref<2x400x144xf32, #tpu.memory_space<vmem>>, vector<1x400x144xf32>
    %get3A_3 = vector.shape_cast %get3A_2 : vector<1x400x144xf32> to vector<400x144xf32>
    %get3A_4 = arith.constant 1 : index
    %get3A_5 = arith.constant 0 : index
    %get3A_6 = arith.constant 0 : index
    %get3A_7 = vector.load %arg2[%get3A_4, %get3A_5, %get3A_6] : memref<2x400x144xf32, #tpu.memory_space<vmem>>, vector<1x400x144xf32>
    %get3A_8 = vector.shape_cast %get3A_7 : vector<1x400x144xf32> to vector<400x144xf32>
    %add3A = arith.addf %get3A_3, %get3A_8 : vector<400x144xf32>
    %slice3A = vector.extract_strided_slice %add3A {offsets = [0, 128], sizes = [400, 1], strides = [1, 1]} : vector<400x144xf32> to vector<400x1xf32>
    %slice3A_9 = vector.extract_strided_slice %add3A {offsets = [0, 0], sizes = [400, 128], strides = [1, 1]} : vector<400x144xf32> to vector<400x128xf32>
    %max3A = arith.constant 1.000000e+00 : f32
    %max3A_10 = vector.broadcast %max3A : f32 to vector<400x1xf32>
    %max3A_11 = arith.maximumf %slice3A, %max3A_10 : vector<400x1xf32>
    %div3A = vector.broadcast %max3A_11 : vector<400x1xf32> to vector<400x128xf32>
    %div3A_12 = arith.divf %slice3A_9, %div3A : vector<400x128xf32>
    %get3A_13 = arith.constant 0 : index
    %get3A_14 = arith.constant 0 : index
    %get3A_15 = vector.load %arg1[%get3A_13, %get3A_14] : memref<400x128xf32, #tpu.memory_space<vmem>>, vector<400x128xf32>
    %add3A_16 = arith.addf %get3A_15, %div3A_12 : vector<400x128xf32>
    %get3A_17 = arith.constant 0 : index
    %get3A_18 = arith.constant 0 : index
    %get3A_19 = vector.load %arg3[%get3A_17, %get3A_18] : memref<128x128xf32, #tpu.memory_space<vmem>>, vector<128x128xf32>
    %dot_general3A = arith.constant dense<0.000000e+00> : vector<400x128xf32>
    %dot_general3A_20 = tpu.matmul %add3A_16, %get3A_19, %dot_general3A {dimension_numbers = #tpu.dot_dimension_numbers<[1], [0], [0], [1], [0, 0, 1, 1], [], []>, transpose_lhs_hint = false} : vector<400x128xf32>, vector<128x128xf32>, vector<400x128xf32> -> vector<400x128xf32>
    %get3A_21 = arith.constant 0 : index
    %get3A_22 = arith.constant 0 : index
    %get3A_23 = vector.load %arg4[%get3A_21, %get3A_22] : memref<1x128xf32, #tpu.memory_space<vmem>>, vector<1x128xf32>
    %add3A_24 = vector.broadcast %get3A_23 : vector<1x128xf32> to vector<400x128xf32>
    %add3A_25 = arith.addf %dot_general3A_20, %add3A_24 : vector<400x128xf32>
    %max3A_26 = arith.constant 0.000000e+00 : f32
    %max3A_27 = vector.broadcast %max3A_26 : f32 to vector<400x128xf32>
    %max3A_28 = arith.maximumf %add3A_25, %max3A_27 : vector<400x128xf32>
    %swap3A = arith.constant 0 : index
    %swap3A_29 = arith.constant 0 : index
    %swap3A_30 = vector.load %arg5[%swap3A, %swap3A_29] : memref<400x144xf32, #tpu.memory_space<vmem>>, vector<400x128xf32>
    tpu.vector_store %arg5[%swap3A, %swap3A_29], %max3A_28 {strides = array<i32>} : memref<400x144xf32, #tpu.memory_space<vmem>>, vector<400x128xf32>,
    %broadcast_in_dim3A = arith.constant 1.000000e+00 : f32
    %broadcast_in_dim3A_31 = vector.broadcast %broadcast_in_dim3A : f32 to vector<400x1xf32>
    %swap3A_32 = arith.constant 0 : index
    %swap3A_33 = arith.constant 128 : index
    %swap3A_34 = vector.load %arg5[%swap3A_32, %swap3A_33] : memref<400x144xf32, #tpu.memory_space<vmem>>, vector<400x1xf32>
    tpu.vector_store %arg5[%swap3A_32, %swap3A_33], %broadcast_in_dim3A_31 {strides = array<i32>} : memref<400x144xf32, #tpu.memory_space<vmem>>, vector<400x1xf32>,
    %broadcast_in_dim3A_35 = arith.constant 0.000000e+00 : f32
    %broadcast_in_dim3A_36 = vector.broadcast %broadcast_in_dim3A_35 : f32 to vector<400x15xf32>
    %swap3A_37 = arith.constant 0 : index
    %swap3A_38 = arith.constant 129 : index
    %swap3A_39 = vector.load %arg5[%swap3A_37, %swap3A_38] : memref<400x144xf32, #tpu.memory_space<vmem>>, vector<400x15xf32>
    tpu.vector_store %arg5[%swap3A_37, %swap3A_38], %broadcast_in_dim3A_36 {strides = array<i32>} : memref<400x144xf32, #tpu.memory_space<vmem>>, vector<400x15xf32>,
    return
  }
  func.func @transform_0(%arg0: i32) -> (i32, i32) {
    %c0_i32 = arith.constant 0 : i32
    %c0_i32_0 = arith.constant 0 : i32
    return %arg0, %c0_i32 : i32, i32
  }
  func.func @transform_1(%arg0: i32) -> (i32, i32, i32) {
    %c0_i32 = arith.constant 0 : i32
    %c0_i32_0 = arith.constant 0 : i32
    %c0_i32_1 = arith.constant 0 : i32
    return %c0_i32, %arg0, %c0_i32_0 : i32, i32, i32
  }
  func.func @transform_2(%arg0: i32) -> (i32, i32) {
    %c0_i32 = arith.constant 0 : i32
    %c0_i32_0 = arith.constant 0 : i32
    %c0_i32_1 = arith.constant 0 : i32
    return %c0_i32, %c0_i32_0 : i32, i32
  }
  func.func @transform_3(%arg0: i32) -> (i32, i32) {
    %c0_i32 = arith.constant 0 : i32
    %c0_i32_0 = arith.constant 0 : i32
    %c0_i32_1 = arith.constant 0 : i32
    return %c0_i32, %c0_i32_0 : i32, i32
  }
  func.func @transform_4(%arg0: i32) -> (i32, i32) {
    %c0_i32 = arith.constant 0 : i32
    %c0_i32_0 = arith.constant 0 : i32
    return %arg0, %c0_i32 : i32, i32
  }
}

module attributes {stable_mosaic.version = 14 : i64} {
  func.func @_mlp_body(%arg0: i32, %arg1: memref<400x144xf32, #tpu.memory_space<vmem>>, %arg2: memref<2x400x144xf32, #tpu.memory_space<vmem>>, %arg3: memref<128x128xf32, #tpu.memory_space<vmem>>, %arg4: memref<1x128xf32, #tpu.memory_space<vmem>>, %arg5: memref<400x128xf32, #tpu.memory_space<vmem>>) attributes {dimension_semantics = [#tpu.dimension_semantics<arbitrary>], iteration_bounds = array<i64: 25>, scalar_prefetch = 0 : i64, scratch_operands = 0 : i64, tpu.core_type = #tpu.core_type<tc>, window_params = [{transform_indices = @transform_0, window_bounds = array<i64: 400, 144>}, {transform_indices = @transform_1, window_bounds = array<i64: 2, 400, 144>}, {pipeline_mode = #tpu.pipeline_mode<synchronous>, transform_indices = @transform_2, window_bounds = array<i64: 128, 128>}, {pipeline_mode = #tpu.pipeline_mode<synchronous>, transform_indices = @transform_3, window_bounds = array<i64: 1, 128>}, {transform_indices = @transform_4, window_bounds = array<i64: 400, 128>}]} {
    %get3A = arith.constant 0 : index
    %get3A_0 = arith.constant 0 : index
    %get3A_1 = arith.constant 0 : index
    %get3A_2 = vector.load %arg2[%get3A, %get3A_0, %get3A_1] : memref<2x400x144xf32, #tpu.memory_space<vmem>>, vector<1x400x144xf32>
    %get3A_3 = vector.shape_cast %get3A_2 : vector<1x400x144xf32> to vector<400x144xf32>
    %get3A_4 = arith.constant 1 : index
    %get3A_5 = arith.constant 0 : index
    %get3A_6 = arith.constant 0 : index
    %get3A_7 = vector.load %arg2[%get3A_4, %get3A_5, %get3A_6] : memref<2x400x144xf32, #tpu.memory_space<vmem>>, vector<1x400x144xf32>
    %get3A_8 = vector.shape_cast %get3A_7 : vector<1x400x144xf32> to vector<400x144xf32>
    %add3A = arith.addf %get3A_3, %get3A_8 : vector<400x144xf32>
    %slice3A = vector.extract_strided_slice %add3A {offsets = [0, 128], sizes = [400, 1], strides = [1, 1]} : vector<400x144xf32> to vector<400x1xf32>
    %slice3A_9 = vector.extract_strided_slice %add3A {offsets = [0, 0], sizes = [400, 128], strides = [1, 1]} : vector<400x144xf32> to vector<400x128xf32>
    %max3A = arith.constant 1.000000e+00 : f32
    %max3A_10 = vector.broadcast %max3A : f32 to vector<400x1xf32>
    %max3A_11 = arith.maximumf %slice3A, %max3A_10 : vector<400x1xf32>
    %div3A = vector.broadcast %max3A_11 : vector<400x1xf32> to vector<400x128xf32>
    %div3A_12 = arith.divf %slice3A_9, %div3A : vector<400x128xf32>
    %get3A_13 = arith.constant 0 : index
    %get3A_14 = arith.constant 0 : index
    %get3A_15 = vector.load %arg1[%get3A_13, %get3A_14] : memref<400x144xf32, #tpu.memory_space<vmem>>, vector<400x128xf32>
    %add3A_16 = arith.addf %get3A_15, %div3A_12 : vector<400x128xf32>
    %get3A_17 = arith.constant 0 : index
    %get3A_18 = arith.constant 0 : index
    %get3A_19 = vector.load %arg3[%get3A_17, %get3A_18] : memref<128x128xf32, #tpu.memory_space<vmem>>, vector<128x128xf32>
    %dot_general3A = arith.constant dense<0.000000e+00> : vector<400x128xf32>
    %dot_general3A_20 = tpu.matmul %add3A_16, %get3A_19, %dot_general3A {dimension_numbers = #tpu.dot_dimension_numbers<[1], [0], [0], [1], [0, 0, 1, 1], [], []>, transpose_lhs_hint = false} : vector<400x128xf32>, vector<128x128xf32>, vector<400x128xf32> -> vector<400x128xf32>
    %get3A_21 = arith.constant 0 : index
    %get3A_22 = arith.constant 0 : index
    %get3A_23 = vector.load %arg4[%get3A_21, %get3A_22] : memref<1x128xf32, #tpu.memory_space<vmem>>, vector<1x128xf32>
    %add3A_24 = vector.broadcast %get3A_23 : vector<1x128xf32> to vector<400x128xf32>
    %add3A_25 = arith.addf %dot_general3A_20, %add3A_24 : vector<400x128xf32>
    %swap3A = arith.constant 0 : index
    %swap3A_26 = arith.constant 0 : index
    %swap3A_27 = vector.load %arg5[%swap3A, %swap3A_26] : memref<400x128xf32, #tpu.memory_space<vmem>>, vector<400x128xf32>
    tpu.vector_store %arg5[%swap3A, %swap3A_26], %add3A_25 {strides = array<i32>} : memref<400x128xf32, #tpu.memory_space<vmem>>, vector<400x128xf32>,
    return
  }
  func.func @transform_0(%arg0: i32) -> (i32, i32) {
    %c0_i32 = arith.constant 0 : i32
    %c0_i32_0 = arith.constant 0 : i32
    return %arg0, %c0_i32 : i32, i32
  }
  func.func @transform_1(%arg0: i32) -> (i32, i32, i32) {
    %c0_i32 = arith.constant 0 : i32
    %c0_i32_0 = arith.constant 0 : i32
    %c0_i32_1 = arith.constant 0 : i32
    return %c0_i32, %arg0, %c0_i32_0 : i32, i32, i32
  }
  func.func @transform_2(%arg0: i32) -> (i32, i32) {
    %c0_i32 = arith.constant 0 : i32
    %c0_i32_0 = arith.constant 0 : i32
    %c0_i32_1 = arith.constant 0 : i32
    return %c0_i32, %c0_i32_0 : i32, i32
  }
  func.func @transform_3(%arg0: i32) -> (i32, i32) {
    %c0_i32 = arith.constant 0 : i32
    %c0_i32_0 = arith.constant 0 : i32
    %c0_i32_1 = arith.constant 0 : i32
    return %c0_i32, %c0_i32_0 : i32, i32
  }
  func.func @transform_4(%arg0: i32) -> (i32, i32) {
    %c0_i32 = arith.constant 0 : i32
    %c0_i32_0 = arith.constant 0 : i32
    return %arg0, %c0_i32 : i32, i32
  }
}

</mosaic_0001>

<sc_bundles>
// kernel: _run.6.cloned.1.call-start
scs
__scs_entry_jumppad:
0x0: {  	(pc) =	sbr.rel $0x88, $3  }
0x1: {  	(tag) =	ssettag $0x0;
	lr =	simm.s32 $0x1  }
0x2: {  	[smem:$0x3F9B] =	sst lr;
	_ =	strace $0xD0000000  }
0x3: {  	_ = 	snop  }
0x4: {  	_ = 	snop  }
0x5: {  	_ = 	snop  }
0x6: {  	_ = 	snop  }
0x7: {  	_ = 	snop  }
__scs_overlays_trampoline_lowered:
0x8: {  	[smem:$0x3FAA] =	sst s0  }
0x9: {  	[smem:$0x3FAB] =	sst s1  }
0xa: {  	[smem:$0x3FAC] =	sst s2  }
0xb: {  	[smem:$0x3FAD] =	sst s3  }
0xc: {  	[smem:$0x3FAE] =	sst s4  }
0xd: {  	[smem:$0x3FAF] =	sst s5  }
0xe: {  	[smem:$0x3FB0] =	sst s6  }
0xf: {  	[smem:$0x3FB1] =	sst s7  }
0x10: {  	[smem:$0x3FB2] =	sst s8  }
0x11: {  	[smem:$0x3FB3] =	sst s9;
	s0 =	simm.s32 @!p0 $0x0  }
0x12: {  	s1 =	sld [smem:$0x3F99];
	s0 =	simm.s32 @p0 $0x1  }
0x13: {  	[smem:$0x3FB4] =	sst s0;
	s0 =	simm.s32 @!p1 $0x0  }
0x14: {  	s2 =	sld [smem:$0x3F98];
	s0 =	simm.s32 @p1 $0x1  }
0x15: {  	[smem:$0x3FB5] =	sst s0;
	s0 =	simm.s32 @!p2 $0x0  }
0x16: {  	s3 =	sld [smem:$0x3FDB];
	s0 =	simm.s32 @p2 $0x1  }
0x17: {  	s4 =	simm.s32 $0x1BF5;
	[smem:$0x3FB7] =	sst s0  }
0x18: {  	s0 =	sld [smem:$0x3F9A];
	_ =	swait.ge [sflag:s4], $0x0  }
0x19: {  	s7 =	sld [smem:$0x3F9B]  }
0x1a: {  	s8 =	sadd.s32 $0xFFFFE003, lr  }
0x1b: {  	s9 =	sadd.s32 $0xFFFFFEF7, lr;
	s5 =	simm.s32 $0xFFFFFFFF;
	p2 =	slt.u32 s8, $0xFFFFF086  }
0x1c: {  	p1 =	slt.u32 s9, $0xF7A;
	s5 =	simm.s32 @!p2 $0x0  }
0x1d: {  	s5 =	simm.s32 @p1 $0x1;
	p0 =	seq.s32 s7, s2  }
0x1e: {  	s7 =	smul.u32 @!p0 $0xF7A, s2;
	p2 =	seq.s32 @!p0 s5, $0x0  }
0x1f: {  	s9 =	smul.u32 $0xF7A, s1;
	s8 =	simm.s32 @!p0 $0x1BF5;
	p2 =	por !p2, p0  }
0x20: {  	[sflag:s8] =	ssyncset.s32 @!p0 $0xFFFFF086;
	s6 =	sadd.s32 @!p0 s3, s7;
	s7 =	simm.s32 @!p0 $0x108  }
0x21: {  	s3 =	sadd.s32 s3, s9;
	s6 =	sadd.s32 @!p0 $0x88, s6;
	s7 =	simm.s32 @p2 $0x1082  }
0x22: {  	[simem:s7], [sflag:s8] =	dma.local @!p0 [hbm:s6], $0xF7A  }
0x23: {  	s9 =	sor.u32 $0xD0000000, s2;
	s6 =	simm.s32 $0x108;
	_ =	swait.ge @!p0 [sflag:s8], $0x0  }
0x24: {  	s3 =	sadd.s32 $0x88, s3;
	s6 =	simm.s32 @!p1 $0x1082;
	[sflag:s4] =	ssyncset.s32 $0xFFFFF086  }
0x25: {  	[simem:s6], [sflag:s4] =	dma.local [hbm:s3], $0xF7A  }
0x26: {  	[smem:$0x3F9B] =	sst s1;
	(tag) =	ssettag s2;
	_ =	strace s9  }
0x27: {  	s1 =	sld [smem:$0x3FAB]  }
0x28: {  	s2 =	sld [smem:$0x3FAC]  }
0x29: {  	s4 =	sld [smem:$0x3FAE]  }
0x2a: {  	p0 =	seq.s32 s5, $0x0;
	s5 =	sld [smem:$0x3FAF]  }
0x2b: {  	s6 =	sld [smem:$0x3FB0]  }
0x2c: {  	s7 =	sld [smem:$0x3FB1]  }
0x2d: {  	s3 =	simm.s32 $0x108;
	s8 =	sld [smem:$0x3FB2]  }
0x2e: {  	s3 =	simm.s32 @!p0 $0x1082;
	s9 =	sld [smem:$0x3FB3]  }
0x2f: {  	lr =	sadd.s32 s0, s3;
	s0 =	sld [smem:$0x3FAA]  }
0x30: {  	s3 =	sld [smem:$0x3FAD]  }
0x31: {  	[smem:$0x3FB6] =	sst s10  }
0x32: {  	s10 =	sld [smem:$0x3FB4];
	_ =	sdelay $0x3  }
0x33: {  	p0 =	seq.s32 s10, $0x1;
	s10 =	sld [smem:$0x3FB6];
	_ =	sdelay $0x3  }
0x34: {  	[smem:$0x3FB6] =	sst s10  }
0x35: {  	s10 =	sld [smem:$0x3FB5];
	_ =	sdelay $0x3  }
0x36: {  	p1 =	seq.s32 s10, $0x1;
	s10 =	sld [smem:$0x3FB6];
	_ =	sdelay $0x3  }
0x37: {  	[smem:$0x3FB6] =	sst s10  }
0x38: {  	s10 =	sld [smem:$0x3FB7]  }
0x39: {  	_ = 	snop;
	(pc) =	sbr.ind lr, $3  }
0x3a: {  	_ = 	snop  }
0x3b: {  	_ = 	snop  }
0x3c: {  	p2 =	seq.s32 s10, $0x1;
	s10 =	sld [smem:$0x3FB6]  }
0x3d: {  	_ =	shalt  }
0x3e: {  	_ =	shalt  }
0x3f: {  	_ =	shalt  }
0x40: {  	_ =	shalt  }
0x41: {  	_ =	shalt  }
0x42: {  	_ =	shalt  }
0x43: {  	_ =	shalt  }
0x44: {  	_ =	shalt  }
0x45: {  	_ =	shalt  }
0x46: {  	_ =	shalt  }
0x47: {  	_ =	shalt  }
0x48: {  	_ =	shalt  }
0x49: {  	_ =	shalt  }
0x4a: {  	_ =	shalt  }
0x4b: {  	_ =	shalt  }
0x4c: {  	_ =	shalt  }
0x4d: {  	_ =	shalt  }
0x4e: {  	_ =	shalt  }
0x4f: {  	_ =	shalt  }
0x50: {  	_ =	shalt  }
0x51: {  	_ =	shalt  }
0x52: {  	_ =	shalt  }
0x53: {  	_ =	shalt  }
0x54: {  	_ =	shalt  }
0x55: {  	_ =	shalt  }
0x56: {  	_ =	shalt  }
0x57: {  	_ =	shalt  }
0x58: {  	_ =	shalt  }
0x59: {  	_ =	shalt  }
0x5a: {  	_ =	shalt  }
0x5b: {  	_ =	shalt  }
0x5c: {  	_ =	shalt  }
0x5d: {  	_ =	shalt  }
0x5e: {  	_ =	shalt  }
0x5f: {  	_ =	shalt  }
0x60: {  	_ =	shalt  }
0x61: {  	_ =	shalt  }
0x62: {  	_ =	shalt  }
0x63: {  	_ =	shalt  }
0x64: {  	_ =	shalt  }
0x65: {  	_ =	shalt  }
0x66: {  	_ =	shalt  }
0x67: {  	_ =	shalt  }
0x68: {  	_ =	shalt  }
0x69: {  	_ =	shalt  }
0x6a: {  	_ =	shalt  }
0x6b: {  	_ =	shalt  }
0x6c: {  	_ =	shalt  }
0x6d: {  	_ =	shalt  }
0x6e: {  	_ =	shalt  }
0x6f: {  	_ =	shalt  }
0x70: {  	_ =	shalt  }
0x71: {  	_ =	shalt  }
0x72: {  	_ =	shalt  }
0x73: {  	_ =	shalt  }
0x74: {  	_ =	shalt  }
0x75: {  	_ =	shalt  }
0x76: {  	_ =	shalt  }
0x77: {  	_ =	shalt  }
0x78: {  	_ =	shalt  }
0x79: {  	_ =	shalt  }
0x7a: {  	_ =	shalt  }
0x7b: {  	_ =	shalt  }
0x7c: {  	_ =	shalt  }
0x7d: {  	_ =	shalt  }
0x7e: {  	_ =	shalt  }
0x7f: {  	_ =	shalt  }
0x80: {  	_ =	shalt  }
0x81: {  	_ =	shalt  }
0x82: {  	_ =	shalt  }
0x83: {  	_ =	shalt  }
0x84: {  	_ =	shalt  }
0x85: {  	_ =	shalt  }
0x86: {  	_ =	shalt  }
0x87: {  	_ =	shalt  }
.Lfunc_end0:
.L_simem_size_0:
called_computation_lowered:
.L_overlay_start_0:
0x88: {  	s2 =	sld [smem:$0x3FD9]  }
0x89: {  	s3 =	sld [smem:$0x3FFE];
	_ =	sdelay $0x1  }
0x8a: {  	s1 =	srdreg.scid  }
0x8b: {  	s0 =	sand.u32 $0x1, s1  }
0x8c: {  	s17 =	sshll.u32 s0, $0xA;
	s2 =	sadd.s32 s3, s2  }
0x8d: {  	s2 =	sadd.s32 s2, s17  }
0x8e: {  	[smem:$0x3FC2] =	sst s2  }
0x8f: {  	_ = 	snop  }
0x90: {  	s2 =	sld [smem:$0x3FD0];
	(tm) =	ssettm $0x1  }
0x91: {  	s18 =	sld [smem:$0x3FFB];
	_ =	sdelay $0x3  }
0x92: {  	_ =	strace s18  }
0x93: {  	s3 =	sld [smem:$0x3FFC];
	_ =	sdelay $0x3  }
0x94: {  	_ =	strace s3  }
0x95: {  	s3 =	sld [smem:$0x3FFD];
	_ =	sdelay $0x3  }
0x96: {  	_ =	strace s3  }
0x97: {  	_ =	strace $0x8FFFFFFF  }
0x98: {  	s19 =	sld [smem:$0x3FDB];
	_ =	sdelay $0x1  }
0x99: {  	s4 =	simm.s32 $_scs_section_size  }
0x9a: {  	s5 =	simm.s32 $_size__tile_overlayer_lowered;
	s6 =	simm.s32 $_tile_overlayer_lowered  }
0x9b: {  	s22 =	simm.s32 $0x1BFF;
	s21 =	sshll.u32 s6, $0x1;
	s3 =	sadd.s32 s4, s19  }
0x9c: {  	s7 =	simm.s32 $0x0;
	s20 =	sshll.u32 s5, $0x1;
	s5 =	sadd.s32 s21, s3  }
0x9d: {  	[timem:s7], [sflag:s22] =	dma.local [hbm:s5], s20  }
0x9e: {  	_ =	swait.ge [sflag:s22], s20  }
0x9f: {  	s4 =	ssub.s32 $0x0, s20;
	[sflag:s22] =	ssyncset.done $0x0  }
0xa0: {  	[sflag:s22] =	ssyncadd.s32 s4;
	_ =	sdelay $0x1  }
0xa1: {  	s23 =	simm.s32 $0x1B8B  }
0xa2: {  	_ =	swait.ge [sflag:s23], $0x1  }
0xa3: {  	[sflag:s23] =	ssyncset.done $0x0  }
0xa4: {  	s25 =	simm.s32 $0x1B8E;
	s24 =	sld [smem:$0x3FFE];
	[sflag:s23] =	ssyncadd.s32 $0xFFFFFFFF  }
0xa5: {  	s26 =	simm.s32 $execute0_lowered;
	[smem:$0x3FD2] =	sst s25  }
0xa6: {  	s5 =	sshll.u32 s26, $0x1;
	_ =	strace $0x80000046;
	[dreg:$0x1] =	wrdreg $0xFFFFFFFF  }
0xa7: {  	s28 =	simm.s32 $_size_execute0_lowered;
	s3 =	sadd.s32 s3, s5;
	[dreg:$0x0] =	wrdreg $0x0  }
0xa8: {  	s5 =	sshll.u32 s28, $0x1;
	[dreg:$0x2] =	wrdreg s3  }
0xa9: {  	[dreg:$0x3] =	wrdreg s5  }
0xaa: {  	[dreg:$0x4] =	wrdreg $0xC0  }
0xab: {  	_ =	task [dreg:s7], $0x5FFFF  }
0xac: {  	[dreg:$0x1] =	wrdreg $0xFFFFFFFF  }
0xad: {  	[dreg:$0x0] =	wrdreg $0x60  }
0xae: {  	[dreg:$0x2] =	wrdreg s24  }
0xaf: {  	[dreg:$0x3] =	wrdreg s2  }
0xb0: {  	[dreg:$0x4] =	wrdreg $0xA0200  }
0xb1: {  	[dreg:$0x5] =	wrdreg $0x9  }
0xb2: {  	_ =	task.clear_ibuf [dreg:s7], $0x6FFFF;
	_ =	strace $0x90000046  }
0xb3: {  	s29 =	simm.s32 $0x9;
	_ =	strace $0x80000048  }
0xb4: {  	_ =	swait.ge [sflag:s29], $0x1  }
0xb5: {  	[sflag:s29] =	ssyncadd.s32 $0xFFFFFFFF  }
0xb6: {  	_ =	strace $0x90000048  }
0xb7: {  	_ =	sfence  }
0xb8: {  	s30 =	sld [smem:$0x0];
	_ =	sdelay $0x2  }
0xb9: {  	s31 =	sshll.u32 s1, $0xD;
	s1 =	sshrl.u32 s1, $0x2  }
0xba: {  	s3 =	sand.u32 $0x4000, s31;
	s1 =	sadd.s32 s1, s30  }
0xbb: {  	s0 =	sor.u32 s3, s0;
	s1 =	sshll.u32 s1, $0x11  }
0xbc: {  	s0 =	sor.u32 s1, s0  }
0xbd: {  	s0 =	sadd.s32 $0x8F2B, s0  }
0xbe: {  	[sflag:s0] =	ssyncadd.remote.s32 $0x1  }
0xbf: {  	_ =	sfence.sel $0xFFFF  }
0xc0: {  	[dreg:$0x0] =	wrdreg $0xFFFFFFFF;
	(pc) =	sbr.abs _section_cstart, $3  }
0xc1: {  	[dreg:$0x1] =	wrdreg $0xFFFFFFFF  }
0xc2: {  	_ =	task.clear_ibuf [dreg:s7], $0x2FFFF;
	_ =	strace $0x9FFFFFFF  }
0xc3: {  	(tm) =	ssettm $0x7FFFFFFF  }
tec
execute0_lowered:
.L_overlay_start_1:
0x0: {  	(tag) =	ssettag $0x1  }
0x1: {  	s5 =	rddreg [dreg:$0x0]  }
0x2: {  	s8 =	rddreg [dreg:$0x1]  }
0x3: {  	s1 =	rddreg [dreg:$0x2]  }
0x4: {  	s2 =	srdreg.scid;
	s0 =	rddreg [dreg:$0x3]  }
0x5: {  	s3 =	simm.s32 $0x0;
	s16 =	simm.s32 $0x6120;
	s17 =	simm.s32 $0x2  }
0x6: {  	s18 =	simm.s32 $0x70;
	s6 =	sand.u32 $0x1, s2;
	s2 =	stileid.u32  }
0x7: {  	s19 =	simm.s32 $0x1;
	[smem:$0x7FF] =	sst s3;
	s7 =	smul.u32 $0x15F900, s6  }
0x8: {  	s4 =	sshll.u32 s2, $0x1;
	s11 =	smul.u32 $0x15F90, s2;
	_ =	strace $0x80000047  }
0x9: {  	s10 =	ssub.s32 $0x2, s6;
	s12 =	smul.u32 $0x57E40, s2;
	p0 =	seq.s32 s6, $0x0  }
0xa: {  	s9 =	sor.u32 s6, s4;
	s4 =	sadd.s32 $0xCE00, s5;
	s29 =	sshrl.u32 s10, $0x1  }
0xb: {  	s9 =	smul.u32 $0x612, s9;
	s7 =	sadd.s32 s11, s7;
	s30 =	sshrl.u32 s12, $0x2  }
0xc: {  	s31 =	ssub.s32 s10, s29;
	s20 =	sadd.s32 s11, s1;
	s7 =	sshrl.u32 s7, $0x3  }
0xd: {  	s6 =	sadd.s32 s30, s1;
	s11 =	smax.u32 s31, $0x1;
	s20 =	sshrl.u32 s20, $0x3  }
0xe: {  	s13 =	sadd.s32 s9, s5;
	s14 =	sadd.s32 s7, s5;
	s5 =	simm.s32 $0x6F  }
0xf: {  	s7 =	sadd.s32 $0x13B00, s6;
	s8 =	sadd.s32 s8, s9;
	s12 =	sadd.s32 $0x3F00, s6  }
0x10: {  	s15 =	sadd.s32 $0xFC00, s6;
	s5 =	simm.s32 @!p0 $0x44;
	s9 =	sadd.s32 $0xA00, s13  }
0x11: {  	v0 =	vimm.f32 $0.0e+00;
	s10 =	sadd.s32 $0x39000, s14;
	s13 =	sadd.s32 $0x7E00, s6;
	s14 =	sadd.s32 $0xBD00, s6  }
.LBB2_1:
0x12: {  	s21 =	simm.s32 $0x0;
	s22 =	simm.s32 $0x240  }
.LBB2_2:
0x13: {  	p0 =	sne.s32 s22, $0xF9C0;
	[tilespmem:s21+$0x61A0] =	vst v0  }
0x14: {  	[tilespmem:s21+$0x6120] =	vst v0  }
0x15: {  	[tilespmem:s21+$0x6130] =	vst v0  }
0x16: {  	[tilespmem:s21+$0x6140] =	vst v0  }
.Ltmp0:
0x17: {  	[tilespmem:s21+$0x6150] =	vst v0;
	(pc) =	sbr.rel @p0 .LBB2_2-.Ltmp0, $4  }
0x18: {  	[tilespmem:s21+$0x6160] =	vst v0  }
0x19: {  	[tilespmem:s21+$0x6170] =	vst v0  }
0x1a: {  	[tilespmem:s21+$0x6180] =	vst v0  }
0x1b: {  	[tilespmem:s21+$0x6190] =	vst v0;
	s21 =	sshra.s32 s22, $0x2;
	s22 =	sadd.s32 $0x240, s22  }
0x1c: {  	[tilespmem:s21+$0x61A0] =	vst v0  }
0x1d: {  	[tilespmem:s21+$0x6120] =	vst v0  }
0x1e: {  	[tilespmem:s21+$0x6130] =	vst v0  }
0x1f: {  	[tilespmem:s21+$0x6140] =	vst v0  }
0x20: {  	[tilespmem:s21+$0x6150] =	vst v0  }
0x21: {  	[tilespmem:s21+$0x6160] =	vst v0  }
0x22: {  	[tilespmem:s21+$0x6170] =	vst v0  }
0x23: {  	[tilespmem:s21+$0x6180] =	vst v0  }
0x24: {  	[tilespmem:s21+$0x6190] =	vst v0  }
0x25: {  	[spmem:s6] =	stream.linear.scatter [tilespmem:s16], [sflag:$0x2], $0x3F00, $0x38;
	[tilespmem:$0x1FFB0] =	vst v63  }
0x26: {  	_ =	swait.ge [sflag:s17], $0x3F00  }
0x27: {  	[sflag:s17] =	ssyncset.done $0x0  }
0x28: {  	[sflag:s17] =	ssyncadd.s32 $0xFFFFC100  }
0x29: {  	[spmem:s12] =	stream.linear.scatter [tilespmem:s16], [sflag:$0x2], $0x3F00, $0x38;
	[tilespmem:$0x1FFB0] =	vst v63  }
0x2a: {  	_ =	swait.ge [sflag:s17], $0x3F00  }
0x2b: {  	[sflag:s17] =	ssyncset.done $0x0  }
0x2c: {  	[sflag:s17] =	ssyncadd.s32 $0xFFFFC100  }
0x2d: {  	[spmem:s13] =	stream.linear.scatter [tilespmem:s16], [sflag:$0x2], $0x3F00, $0x38;
	[tilespmem:$0x1FFB0] =	vst v63  }
0x2e: {  	_ =	swait.ge [sflag:s17], $0x3F00  }
0x2f: {  	[sflag:s17] =	ssyncset.done $0x0  }
0x30: {  	[sflag:s17] =	ssyncadd.s32 $0xFFFFC100  }
0x31: {  	[spmem:s14] =	stream.linear.scatter [tilespmem:s16], [sflag:$0x2], $0x3F00, $0x38;
	[tilespmem:$0x1FFB0] =	vst v63  }
0x32: {  	_ =	swait.ge [sflag:s17], $0x3F00  }
0x33: {  	[sflag:s17] =	ssyncset.done $0x0  }
0x34: {  	[sflag:s17] =	ssyncadd.s32 $0xFFFFC100  }
0x35: {  	[spmem:s15] =	stream.linear.scatter [tilespmem:s16], [sflag:$0x2], $0x3F00, $0x38;
	[tilespmem:$0x1FFB0] =	vst v63  }
0x36: {  	_ =	swait.ge [sflag:s17], $0x3F00  }
0x37: {  	[sflag:s17] =	ssyncset.done $0x0  }
0x38: {  	[sflag:s17] =	ssyncadd.s32 $0xFFFFC100  }
0x39: {  	[spmem:s7] =	stream.linear.scatter [tilespmem:s16], [sflag:$0x2], $0x2490, $0x38;
	[tilespmem:$0x1FFB0] =	vst v63  }
0x3a: {  	_ =	swait.ge [sflag:s17], $0x2490  }
0x3b: {  	[sflag:s17] =	ssyncset.done $0x0  }
0x3c: {  	s21 =	simm.s32 $0x0;
	[sflag:s17] =	ssyncadd.s32 $0xFFFFDB70  }
0x3d: {  	[tilespmem:s21], [sflag:$0x2] =	stream.linear.gather [hbm4b:s8+s21], $0x3090, $0x38;
	[tilespmem:$0x1FFB0] =	vst v63  }
0x3e: {  	_ =	swait.ge [sflag:s17], $0x3090  }
0x3f: {  	[sflag:s17] =	ssyncset.done $0x0  }
0x40: {  	s22 =	simm.s32 $0x3090;
	[sflag:s17] =	ssyncadd.s32 $0xFFFFCF70  }
0x41: {  	[tilespmem:s22], [sflag:$0x2] =	stream.linear.gather [hbm4b:s9+s21], $0x3090, $0x38;
	[tilespmem:$0x1FFB0] =	vst v63  }
0x42: {  	_ =	swait.ge [sflag:s17], $0x3090  }
0x43: {  	[sflag:s17] =	ssyncset.done $0x0  }
0x44: {  	[sflag:s17] =	ssyncadd.s32 $0xFFFFCF70  }
0x45: {  	[bflag:$0x0] =	sbarrier.arrive $0xFFFF  }
0x46: {  	[tilespmem:s16], [sflag:$0x1] =	stream.indirect.gather [hbm4b:s4+s18], $0x90, s21, s18, $0xb8;
	[tilespmem:$0x1FFB0] =	vst v63  }
0x47: {  	p0 =	sne.s32 s5, $0x1;
	_ =	swait.ge [sflag:s19], $0x3F00  }
.Ltmp1:
0x48: {  	[sflag:s19] =	ssyncset.done $0x0;
	(pc) =	sbr.rel @!p0 .LBB2_5-.Ltmp1, $4  }
0x49: {  	[sflag:s19] =	ssyncadd.s32 $0xFFFFC100  }
0x4a: {  	[spmem:s1] =	stream.indirect.scatter.add.f32 [tilespmem:s16], [sflag:$0x2], $0x90, s22, s18, $0xb8;
	[tilespmem:$0x1FFB0] =	vst v63  }
0x4b: {  	_ =	swait.ge [sflag:s17], $0x3F00  }
0x4c: {  	s23 =	sadd.s32 $0xFFFFFFFF, s5;
	[sflag:s17] =	ssyncset.done $0x0  }
.LBB2_4:
0x4d: {  	[sflag:s17] =	ssyncadd.s32 $0xFFFFC100;
	s22 =	sadd.s32 $0x70, s22;
	s21 =	sadd.s32 $0x70, s21  }
0x4e: {  	[tilespmem:s16], [sflag:$0x1] =	stream.indirect.gather [hbm4b:s4+s18], $0x90, s21, s18, $0xb8;
	[tilespmem:$0x1FFB0] =	vst v63  }
0x4f: {  	p0 =	sne.s32 s23, $0x1;
	s23 =	sadd.s32 $0xFFFFFFFF, s23;
	_ =	swait.ge [sflag:s19], $0x3F00  }
.Ltmp2:
0x50: {  	[sflag:s19] =	ssyncset.done $0x0;
	(pc) =	sbr.rel @p0 .LBB2_4-.Ltmp2, $4  }
0x51: {  	[sflag:s19] =	ssyncadd.s32 $0xFFFFC100  }
0x52: {  	[spmem:s1] =	stream.indirect.scatter.add.f32 [tilespmem:s16], [sflag:$0x2], $0x90, s22, s18, $0xb8;
	[tilespmem:$0x1FFB0] =	vst v63  }
0x53: {  	_ =	swait.ge [sflag:s17], $0x3F00  }
0x54: {  	[sflag:s17] =	ssyncset.done $0x0  }
.LBB2_5:
0x55: {  	s3 =	sadd.s32 $0x1, s3  }
0x56: {  	[sflag:s17] =	ssyncadd.s32 $0xFFFFC100;
	s21 =	sshll.u32 s2, $0x6;
	p0 =	sne.s32 s3, s11  }
.Ltmp3:
0x57: {  	[bflag:$0x0] =	sbarrier.arrive $0xFFFF;
	s21 =	sor.u32 $0x1C02, s21;
	(pc) =	sbr.rel @p0 .LBB2_1-.Ltmp3, $4  }
0x58: {  	[hbm:s10], [sflag:s21] =	dma.local [spmem:s20], $0x2BF2  }
0x59: {  	_ =	swait.ge [sflag:s17], $0x2BF2  }
0x5a: {  	[sflag:s17] =	ssyncset.done $0x0  }
0x5b: {  	[sflag:s17] =	ssyncadd.s32 $0xFFFFD40E  }
0x5c: {  	_ =	sfence.sel $0x180000  }
0x5d: {  	[bflag:$0x0] =	sbarrier.arrive $0xFFFF  }
0x5e: {  	p0 =	sne.s32 s2, $0x0;
	_ =	strace $0x90000047  }
0x5f: {  	s0 =	sadd.s32 @!p0 $0x100000, s0;
	[bflag:$0x2] =	sbarrier.arrive $0xFFFF  }
0x60: {  	[sflag:s0] =	ssyncadd.tile.s32 @!p0 $0x1;
	_ =	shalt  }
.Lfunc_end2:
_tile_overlayer_lowered:
.L_overlay_start_2:
0x61: {  	(tag) =	ssettag $0x2  }
0x62: {  	s0 =	rddreg [dreg:$0x0];
	s2 =	stileid.u32  }
0x63: {  	s1 =	rddreg [dreg:$0x1];
	p0 =	sne.s32 s2, $0x0  }
0x64: {  	s3 =	rddreg [dreg:$0x2];
	[bflag:$0x3] =	sbarrier.arrive $0xFFFF;
	s2 =	simm.s32 @!p0 $0x1C02  }
0x65: {  	[timem:s3], [sflag:s2] =	dma.local @!p0 [hbm:s0], s1  }
0x66: {  	s0 =	simm.s32 @!p0 $0x2  }
0x67: {  	_ =	swait.ge @!p0 [sflag:s0], s1  }
0x68: {  	s1 =	ssub.s32 @!p0 $0x0, s1;
	[sflag:s0] =	ssyncset.done @!p0 $0x0  }
0x69: {  	[sflag:s0] =	ssyncadd.s32 @!p0 s1  }
0x6a: {  	[bflag:$0x3] =	sbarrier.arrive $0xFFFF  }
0x6b: {  	_ =	shalt  }

// kernel: _run.9.cloned.1.call-start
scs
__scs_entry_jumppad:
0x0: {  	(pc) =	sbr.rel $0x88, $3  }
0x1: {  	(tag) =	ssettag $0x0;
	lr =	simm.s32 $0x1  }
0x2: {  	[smem:$0x3F9B] =	sst lr;
	_ =	strace $0xD0000000  }
0x3: {  	_ = 	snop  }
0x4: {  	_ = 	snop  }
0x5: {  	_ = 	snop  }
0x6: {  	_ = 	snop  }
0x7: {  	_ = 	snop  }
__scs_overlays_trampoline_lowered:
0x8: {  	[smem:$0x3FAA] =	sst s0  }
0x9: {  	[smem:$0x3FAB] =	sst s1  }
0xa: {  	[smem:$0x3FAC] =	sst s2  }
0xb: {  	[smem:$0x3FAD] =	sst s3  }
0xc: {  	[smem:$0x3FAE] =	sst s4  }
0xd: {  	[smem:$0x3FAF] =	sst s5  }
0xe: {  	[smem:$0x3FB0] =	sst s6  }
0xf: {  	[smem:$0x3FB1] =	sst s7  }
0x10: {  	[smem:$0x3FB2] =	sst s8  }
0x11: {  	[smem:$0x3FB3] =	sst s9;
	s0 =	simm.s32 @!p0 $0x0  }
0x12: {  	s1 =	sld [smem:$0x3F99];
	s0 =	simm.s32 @p0 $0x1  }
0x13: {  	[smem:$0x3FB4] =	sst s0;
	s0 =	simm.s32 @!p1 $0x0  }
0x14: {  	s2 =	sld [smem:$0x3F98];
	s0 =	simm.s32 @p1 $0x1  }
0x15: {  	[smem:$0x3FB5] =	sst s0;
	s0 =	simm.s32 @!p2 $0x0  }
0x16: {  	s3 =	sld [smem:$0x3FDB];
	s0 =	simm.s32 @p2 $0x1  }
0x17: {  	s4 =	simm.s32 $0x1BF5;
	[smem:$0x3FB7] =	sst s0  }
0x18: {  	s0 =	sld [smem:$0x3F9A];
	_ =	swait.ge [sflag:s4], $0x0  }
0x19: {  	s7 =	sld [smem:$0x3F9B]  }
0x1a: {  	s8 =	sadd.s32 $0xFFFFE003, lr  }
0x1b: {  	s9 =	sadd.s32 $0xFFFFFEF7, lr;
	s5 =	simm.s32 $0xFFFFFFFF;
	p2 =	slt.u32 s8, $0xFFFFF086  }
0x1c: {  	p1 =	slt.u32 s9, $0xF7A;
	s5 =	simm.s32 @!p2 $0x0  }
0x1d: {  	s5 =	simm.s32 @p1 $0x1;
	p0 =	seq.s32 s7, s2  }
0x1e: {  	s7 =	smul.u32 @!p0 $0xF7A, s2;
	p2 =	seq.s32 @!p0 s5, $0x0  }
0x1f: {  	s9 =	smul.u32 $0xF7A, s1;
	s8 =	simm.s32 @!p0 $0x1BF5;
	p2 =	por !p2, p0  }
0x20: {  	[sflag:s8] =	ssyncset.s32 @!p0 $0xFFFFF086;
	s6 =	sadd.s32 @!p0 s3, s7;
	s7 =	simm.s32 @!p0 $0x108  }
0x21: {  	s3 =	sadd.s32 s3, s9;
	s6 =	sadd.s32 @!p0 $0x88, s6;
	s7 =	simm.s32 @p2 $0x1082  }
0x22: {  	[simem:s7], [sflag:s8] =	dma.local @!p0 [hbm:s6], $0xF7A  }
0x23: {  	s9 =	sor.u32 $0xD0000000, s2;
	s6 =	simm.s32 $0x108;
	_ =	swait.ge @!p0 [sflag:s8], $0x0  }
0x24: {  	s3 =	sadd.s32 $0x88, s3;
	s6 =	simm.s32 @!p1 $0x1082;
	[sflag:s4] =	ssyncset.s32 $0xFFFFF086  }
0x25: {  	[simem:s6], [sflag:s4] =	dma.local [hbm:s3], $0xF7A  }
0x26: {  	[smem:$0x3F9B] =	sst s1;
	(tag) =	ssettag s2;
	_ =	strace s9  }
0x27: {  	s1 =	sld [smem:$0x3FAB]  }
0x28: {  	s2 =	sld [smem:$0x3FAC]  }
0x29: {  	s4 =	sld [smem:$0x3FAE]  }
0x2a: {  	p0 =	seq.s32 s5, $0x0;
	s5 =	sld [smem:$0x3FAF]  }
0x2b: {  	s6 =	sld [smem:$0x3FB0]  }
0x2c: {  	s7 =	sld [smem:$0x3FB1]  }
0x2d: {  	s3 =	simm.s32 $0x108;
	s8 =	sld [smem:$0x3FB2]  }
0x2e: {  	s3 =	simm.s32 @!p0 $0x1082;
	s9 =	sld [smem:$0x3FB3]  }
0x2f: {  	lr =	sadd.s32 s0, s3;
	s0 =	sld [smem:$0x3FAA]  }
0x30: {  	s3 =	sld [smem:$0x3FAD]  }
0x31: {  	[smem:$0x3FB6] =	sst s10  }
0x32: {  	s10 =	sld [smem:$0x3FB4];
	_ =	sdelay $0x3  }
0x33: {  	p0 =	seq.s32 s10, $0x1;
	s10 =	sld [smem:$0x3FB6];
	_ =	sdelay $0x3  }
0x34: {  	[smem:$0x3FB6] =	sst s10  }
0x35: {  	s10 =	sld [smem:$0x3FB5];
	_ =	sdelay $0x3  }
0x36: {  	p1 =	seq.s32 s10, $0x1;
	s10 =	sld [smem:$0x3FB6];
	_ =	sdelay $0x3  }
0x37: {  	[smem:$0x3FB6] =	sst s10  }
0x38: {  	s10 =	sld [smem:$0x3FB7]  }
0x39: {  	_ = 	snop;
	(pc) =	sbr.ind lr, $3  }
0x3a: {  	_ = 	snop  }
0x3b: {  	_ = 	snop  }
0x3c: {  	p2 =	seq.s32 s10, $0x1;
	s10 =	sld [smem:$0x3FB6]  }
0x3d: {  	_ =	shalt  }
0x3e: {  	_ =	shalt  }
0x3f: {  	_ =	shalt  }
0x40: {  	_ =	shalt  }
0x41: {  	_ =	shalt  }
0x42: {  	_ =	shalt  }
0x43: {  	_ =	shalt  }
0x44: {  	_ =	shalt  }
0x45: {  	_ =	shalt  }
0x46: {  	_ =	shalt  }
0x47: {  	_ =	shalt  }
0x48: {  	_ =	shalt  }
0x49: {  	_ =	shalt  }
0x4a: {  	_ =	shalt  }
0x4b: {  	_ =	shalt  }
0x4c: {  	_ =	shalt  }
0x4d: {  	_ =	shalt  }
0x4e: {  	_ =	shalt  }
0x4f: {  	_ =	shalt  }
0x50: {  	_ =	shalt  }
0x51: {  	_ =	shalt  }
0x52: {  	_ =	shalt  }
0x53: {  	_ =	shalt  }
0x54: {  	_ =	shalt  }
0x55: {  	_ =	shalt  }
0x56: {  	_ =	shalt  }
0x57: {  	_ =	shalt  }
0x58: {  	_ =	shalt  }
0x59: {  	_ =	shalt  }
0x5a: {  	_ =	shalt  }
0x5b: {  	_ =	shalt  }
0x5c: {  	_ =	shalt  }
0x5d: {  	_ =	shalt  }
0x5e: {  	_ =	shalt  }
0x5f: {  	_ =	shalt  }
0x60: {  	_ =	shalt  }
0x61: {  	_ =	shalt  }
0x62: {  	_ =	shalt  }
0x63: {  	_ =	shalt  }
0x64: {  	_ =	shalt  }
0x65: {  	_ =	shalt  }
0x66: {  	_ =	shalt  }
0x67: {  	_ =	shalt  }
0x68: {  	_ =	shalt  }
0x69: {  	_ =	shalt  }
0x6a: {  	_ =	shalt  }
0x6b: {  	_ =	shalt  }
0x6c: {  	_ =	shalt  }
0x6d: {  	_ =	shalt  }
0x6e: {  	_ =	shalt  }
0x6f: {  	_ =	shalt  }
0x70: {  	_ =	shalt  }
0x71: {  	_ =	shalt  }
0x72: {  	_ =	shalt  }
0x73: {  	_ =	shalt  }
0x74: {  	_ =	shalt  }
0x75: {  	_ =	shalt  }
0x76: {  	_ =	shalt  }
0x77: {  	_ =	shalt  }
0x78: {  	_ =	shalt  }
0x79: {  	_ =	shalt  }
0x7a: {  	_ =	shalt  }
0x7b: {  	_ =	shalt  }
0x7c: {  	_ =	shalt  }
0x7d: {  	_ =	shalt  }
0x7e: {  	_ =	shalt  }
0x7f: {  	_ =	shalt  }
0x80: {  	_ =	shalt  }
0x81: {  	_ =	shalt  }
0x82: {  	_ =	shalt  }
0x83: {  	_ =	shalt  }
0x84: {  	_ =	shalt  }
0x85: {  	_ =	shalt  }
0x86: {  	_ =	shalt  }
0x87: {  	_ =	shalt  }
.Lfunc_end0:
.L_simem_size_0:
called_computation.1_lowered:
.L_overlay_start_0:
0x88: {  	s2 =	sld [smem:$0x3FD9]  }
0x89: {  	s3 =	sld [smem:$0x3FFE];
	_ =	sdelay $0x1  }
0x8a: {  	s1 =	srdreg.scid  }
0x8b: {  	s0 =	sand.u32 $0x1, s1  }
0x8c: {  	s17 =	sshll.u32 s0, $0xA;
	s2 =	sadd.s32 s3, s2  }
0x8d: {  	s2 =	sadd.s32 s2, s17  }
0x8e: {  	[smem:$0x3FC2] =	sst s2  }
0x8f: {  	_ = 	snop  }
0x90: {  	s2 =	sld [smem:$0x3FD0];
	(tm) =	ssettm $0x1  }
0x91: {  	s18 =	sld [smem:$0x3FFB];
	_ =	sdelay $0x3  }
0x92: {  	_ =	strace s18  }
0x93: {  	s3 =	sld [smem:$0x3FFC];
	_ =	sdelay $0x3  }
0x94: {  	_ =	strace s3  }
0x95: {  	s3 =	sld [smem:$0x3FFD];
	_ =	sdelay $0x3  }
0x96: {  	_ =	strace s3  }
0x97: {  	_ =	strace $0x8FFFFFFF  }
0x98: {  	s19 =	sld [smem:$0x3FDB];
	_ =	sdelay $0x1  }
0x99: {  	s4 =	simm.s32 $_scs_section_size  }
0x9a: {  	s5 =	simm.s32 $_size__tile_overlayer_lowered;
	s6 =	simm.s32 $_tile_overlayer_lowered  }
0x9b: {  	s22 =	simm.s32 $0x1BFF;
	s21 =	sshll.u32 s6, $0x1;
	s3 =	sadd.s32 s4, s19  }
0x9c: {  	s7 =	simm.s32 $0x0;
	s20 =	sshll.u32 s5, $0x1;
	s5 =	sadd.s32 s21, s3  }
0x9d: {  	[timem:s7], [sflag:s22] =	dma.local [hbm:s5], s20  }
0x9e: {  	_ =	swait.ge [sflag:s22], s20  }
0x9f: {  	s4 =	ssub.s32 $0x0, s20;
	[sflag:s22] =	ssyncset.done $0x0  }
0xa0: {  	[sflag:s22] =	ssyncadd.s32 s4;
	_ =	sdelay $0x1  }
0xa1: {  	s23 =	simm.s32 $0x1B8B  }
0xa2: {  	_ =	swait.ge [sflag:s23], $0x1  }
0xa3: {  	[sflag:s23] =	ssyncset.done $0x0  }
0xa4: {  	s25 =	simm.s32 $0x1B8E;
	s24 =	sld [smem:$0x3FFE];
	[sflag:s23] =	ssyncadd.s32 $0xFFFFFFFF  }
0xa5: {  	s26 =	simm.s32 $execute0_lowered;
	[smem:$0x3FD2] =	sst s25  }
0xa6: {  	s5 =	sshll.u32 s26, $0x1;
	_ =	strace $0x80000049;
	[dreg:$0x1] =	wrdreg $0xFFFFFFFF  }
0xa7: {  	s28 =	simm.s32 $_size_execute0_lowered;
	s3 =	sadd.s32 s3, s5;
	[dreg:$0x0] =	wrdreg $0x0  }
0xa8: {  	s5 =	sshll.u32 s28, $0x1;
	[dreg:$0x2] =	wrdreg s3  }
0xa9: {  	[dreg:$0x3] =	wrdreg s5  }
0xaa: {  	[dreg:$0x4] =	wrdreg $0xC0  }
0xab: {  	_ =	task [dreg:s7], $0x5FFFF  }
0xac: {  	[dreg:$0x1] =	wrdreg $0xFFFFFFFF  }
0xad: {  	[dreg:$0x0] =	wrdreg $0x60  }
0xae: {  	[dreg:$0x2] =	wrdreg s24  }
0xaf: {  	[dreg:$0x3] =	wrdreg s2  }
0xb0: {  	[dreg:$0x4] =	wrdreg $0xA0200  }
0xb1: {  	[dreg:$0x5] =	wrdreg $0x9  }
0xb2: {  	_ =	task.clear_ibuf [dreg:s7], $0x6FFFF;
	_ =	strace $0x90000049  }
0xb3: {  	s29 =	simm.s32 $0x9;
	_ =	strace $0x8000004B  }
0xb4: {  	_ =	swait.ge [sflag:s29], $0x1  }
0xb5: {  	[sflag:s29] =	ssyncadd.s32 $0xFFFFFFFF  }
0xb6: {  	_ =	strace $0x9000004B  }
0xb7: {  	_ =	sfence  }
0xb8: {  	s30 =	sld [smem:$0x0];
	_ =	sdelay $0x2  }
0xb9: {  	s31 =	sshll.u32 s1, $0xD;
	s1 =	sshrl.u32 s1, $0x2  }
0xba: {  	s3 =	sand.u32 $0x4000, s31;
	s1 =	sadd.s32 s1, s30  }
0xbb: {  	s0 =	sor.u32 s3, s0;
	s1 =	sshll.u32 s1, $0x11  }
0xbc: {  	s0 =	sor.u32 s1, s0  }
0xbd: {  	s0 =	sadd.s32 $0x8F2B, s0  }
0xbe: {  	[sflag:s0] =	ssyncadd.remote.s32 $0x1  }
0xbf: {  	_ =	sfence.sel $0xFFFF  }
0xc0: {  	[dreg:$0x0] =	wrdreg $0xFFFFFFFF;
	(pc) =	sbr.abs _section_cstart, $3  }
0xc1: {  	[dreg:$0x1] =	wrdreg $0xFFFFFFFF  }
0xc2: {  	_ =	task.clear_ibuf [dreg:s7], $0x2FFFF;
	_ =	strace $0x9FFFFFFF  }
0xc3: {  	(tm) =	ssettm $0x7FFFFFFF  }
tec
execute0_lowered:
.L_overlay_start_1:
0x0: {  	(tag) =	ssettag $0x1  }
0x1: {  	s5 =	rddreg [dreg:$0x0]  }
0x2: {  	s8 =	rddreg [dreg:$0x1]  }
0x3: {  	s1 =	rddreg [dreg:$0x2]  }
0x4: {  	s2 =	srdreg.scid;
	s0 =	rddreg [dreg:$0x3]  }
0x5: {  	s3 =	simm.s32 $0x0;
	s16 =	simm.s32 $0x6120;
	s17 =	simm.s32 $0x2  }
0x6: {  	s18 =	simm.s32 $0x70;
	s6 =	sand.u32 $0x1, s2;
	s2 =	stileid.u32  }
0x7: {  	s19 =	simm.s32 $0x1;
	[smem:$0x7FF] =	sst s3;
	s7 =	smul.u32 $0x15F900, s6  }
0x8: {  	s4 =	sshll.u32 s2, $0x1;
	s11 =	smul.u32 $0x15F90, s2;
	_ =	strace $0x8000004A  }
0x9: {  	s10 =	ssub.s32 $0x2, s6;
	s12 =	smul.u32 $0x57E40, s2;
	p0 =	seq.s32 s6, $0x0  }
0xa: {  	s9 =	sor.u32 s6, s4;
	s4 =	sadd.s32 $0xCE00, s5;
	s29 =	sshrl.u32 s10, $0x1  }
0xb: {  	s9 =	smul.u32 $0x612, s9;
	s7 =	sadd.s32 s11, s7;
	s30 =	sshrl.u32 s12, $0x2  }
0xc: {  	s31 =	ssub.s32 s10, s29;
	s20 =	sadd.s32 s11, s1;
	s7 =	sshrl.u32 s7, $0x3  }
0xd: {  	s6 =	sadd.s32 s30, s1;
	s11 =	smax.u32 s31, $0x1;
	s20 =	sshrl.u32 s20, $0x3  }
0xe: {  	s13 =	sadd.s32 s9, s5;
	s14 =	sadd.s32 s7, s5;
	s5 =	simm.s32 $0x6F  }
0xf: {  	s7 =	sadd.s32 $0x13B00, s6;
	s8 =	sadd.s32 s8, s9;
	s12 =	sadd.s32 $0x3F00, s6  }
0x10: {  	s15 =	sadd.s32 $0xFC00, s6;
	s5 =	simm.s32 @!p0 $0x44;
	s9 =	sadd.s32 $0xA00, s13  }
0x11: {  	v0 =	vimm.f32 $0.0e+00;
	s10 =	sadd.s32 $0x39000, s14;
	s13 =	sadd.s32 $0x7E00, s6;
	s14 =	sadd.s32 $0xBD00, s6  }
.LBB2_1:
0x12: {  	s21 =	simm.s32 $0x0;
	s22 =	simm.s32 $0x240  }
.LBB2_2:
0x13: {  	p0 =	sne.s32 s22, $0xF9C0;
	[tilespmem:s21+$0x61A0] =	vst v0  }
0x14: {  	[tilespmem:s21+$0x6120] =	vst v0  }
0x15: {  	[tilespmem:s21+$0x6130] =	vst v0  }
0x16: {  	[tilespmem:s21+$0x6140] =	vst v0  }
.Ltmp0:
0x17: {  	[tilespmem:s21+$0x6150] =	vst v0;
	(pc) =	sbr.rel @p0 .LBB2_2-.Ltmp0, $4  }
0x18: {  	[tilespmem:s21+$0x6160] =	vst v0  }
0x19: {  	[tilespmem:s21+$0x6170] =	vst v0  }
0x1a: {  	[tilespmem:s21+$0x6180] =	vst v0  }
0x1b: {  	[tilespmem:s21+$0x6190] =	vst v0;
	s21 =	sshra.s32 s22, $0x2;
	s22 =	sadd.s32 $0x240, s22  }
0x1c: {  	[tilespmem:s21+$0x61A0] =	vst v0  }
0x1d: {  	[tilespmem:s21+$0x6120] =	vst v0  }
0x1e: {  	[tilespmem:s21+$0x6130] =	vst v0  }
0x1f: {  	[tilespmem:s21+$0x6140] =	vst v0  }
0x20: {  	[tilespmem:s21+$0x6150] =	vst v0  }
0x21: {  	[tilespmem:s21+$0x6160] =	vst v0  }
0x22: {  	[tilespmem:s21+$0x6170] =	vst v0  }
0x23: {  	[tilespmem:s21+$0x6180] =	vst v0  }
0x24: {  	[tilespmem:s21+$0x6190] =	vst v0  }
0x25: {  	[spmem:s6] =	stream.linear.scatter [tilespmem:s16], [sflag:$0x2], $0x3F00, $0x38;
	[tilespmem:$0x1FFB0] =	vst v63  }
0x26: {  	_ =	swait.ge [sflag:s17], $0x3F00  }
0x27: {  	[sflag:s17] =	ssyncset.done $0x0  }
0x28: {  	[sflag:s17] =	ssyncadd.s32 $0xFFFFC100  }
0x29: {  	[spmem:s12] =	stream.linear.scatter [tilespmem:s16], [sflag:$0x2], $0x3F00, $0x38;
	[tilespmem:$0x1FFB0] =	vst v63  }
0x2a: {  	_ =	swait.ge [sflag:s17], $0x3F00  }
0x2b: {  	[sflag:s17] =	ssyncset.done $0x0  }
0x2c: {  	[sflag:s17] =	ssyncadd.s32 $0xFFFFC100  }
0x2d: {  	[spmem:s13] =	stream.linear.scatter [tilespmem:s16], [sflag:$0x2], $0x3F00, $0x38;
	[tilespmem:$0x1FFB0] =	vst v63  }
0x2e: {  	_ =	swait.ge [sflag:s17], $0x3F00  }
0x2f: {  	[sflag:s17] =	ssyncset.done $0x0  }
0x30: {  	[sflag:s17] =	ssyncadd.s32 $0xFFFFC100  }
0x31: {  	[spmem:s14] =	stream.linear.scatter [tilespmem:s16], [sflag:$0x2], $0x3F00, $0x38;
	[tilespmem:$0x1FFB0] =	vst v63  }
0x32: {  	_ =	swait.ge [sflag:s17], $0x3F00  }
0x33: {  	[sflag:s17] =	ssyncset.done $0x0  }
0x34: {  	[sflag:s17] =	ssyncadd.s32 $0xFFFFC100  }
0x35: {  	[spmem:s15] =	stream.linear.scatter [tilespmem:s16], [sflag:$0x2], $0x3F00, $0x38;
	[tilespmem:$0x1FFB0] =	vst v63  }
0x36: {  	_ =	swait.ge [sflag:s17], $0x3F00  }
0x37: {  	[sflag:s17] =	ssyncset.done $0x0  }
0x38: {  	[sflag:s17] =	ssyncadd.s32 $0xFFFFC100  }
0x39: {  	[spmem:s7] =	stream.linear.scatter [tilespmem:s16], [sflag:$0x2], $0x2490, $0x38;
	[tilespmem:$0x1FFB0] =	vst v63  }
0x3a: {  	_ =	swait.ge [sflag:s17], $0x2490  }
0x3b: {  	[sflag:s17] =	ssyncset.done $0x0  }
0x3c: {  	s21 =	simm.s32 $0x0;
	[sflag:s17] =	ssyncadd.s32 $0xFFFFDB70  }
0x3d: {  	[tilespmem:s21], [sflag:$0x2] =	stream.linear.gather [hbm4b:s8+s21], $0x3090, $0x38;
	[tilespmem:$0x1FFB0] =	vst v63  }
0x3e: {  	_ =	swait.ge [sflag:s17], $0x3090  }
0x3f: {  	[sflag:s17] =	ssyncset.done $0x0  }
0x40: {  	s22 =	simm.s32 $0x3090;
	[sflag:s17] =	ssyncadd.s32 $0xFFFFCF70  }
0x41: {  	[tilespmem:s22], [sflag:$0x2] =	stream.linear.gather [hbm4b:s9+s21], $0x3090, $0x38;
	[tilespmem:$0x1FFB0] =	vst v63  }
0x42: {  	_ =	swait.ge [sflag:s17], $0x3090  }
0x43: {  	[sflag:s17] =	ssyncset.done $0x0  }
0x44: {  	[sflag:s17] =	ssyncadd.s32 $0xFFFFCF70  }
0x45: {  	[bflag:$0x0] =	sbarrier.arrive $0xFFFF  }
0x46: {  	[tilespmem:s16], [sflag:$0x1] =	stream.indirect.gather [hbm4b:s4+s18], $0x90, s21, s18, $0xb8;
	[tilespmem:$0x1FFB0] =	vst v63  }
0x47: {  	p0 =	sne.s32 s5, $0x1;
	_ =	swait.ge [sflag:s19], $0x3F00  }
.Ltmp1:
0x48: {  	[sflag:s19] =	ssyncset.done $0x0;
	(pc) =	sbr.rel @!p0 .LBB2_5-.Ltmp1, $4  }
0x49: {  	[sflag:s19] =	ssyncadd.s32 $0xFFFFC100  }
0x4a: {  	[spmem:s1] =	stream.indirect.scatter.add.f32 [tilespmem:s16], [sflag:$0x2], $0x90, s22, s18, $0xb8;
	[tilespmem:$0x1FFB0] =	vst v63  }
0x4b: {  	_ =	swait.ge [sflag:s17], $0x3F00  }
0x4c: {  	s23 =	sadd.s32 $0xFFFFFFFF, s5;
	[sflag:s17] =	ssyncset.done $0x0  }
.LBB2_4:
0x4d: {  	[sflag:s17] =	ssyncadd.s32 $0xFFFFC100;
	s22 =	sadd.s32 $0x70, s22;
	s21 =	sadd.s32 $0x70, s21  }
0x4e: {  	[tilespmem:s16], [sflag:$0x1] =	stream.indirect.gather [hbm4b:s4+s18], $0x90, s21, s18, $0xb8;
	[tilespmem:$0x1FFB0] =	vst v63  }
0x4f: {  	p0 =	sne.s32 s23, $0x1;
	s23 =	sadd.s32 $0xFFFFFFFF, s23;
	_ =	swait.ge [sflag:s19], $0x3F00  }
.Ltmp2:
0x50: {  	[sflag:s19] =	ssyncset.done $0x0;
	(pc) =	sbr.rel @p0 .LBB2_4-.Ltmp2, $4  }
0x51: {  	[sflag:s19] =	ssyncadd.s32 $0xFFFFC100  }
0x52: {  	[spmem:s1] =	stream.indirect.scatter.add.f32 [tilespmem:s16], [sflag:$0x2], $0x90, s22, s18, $0xb8;
	[tilespmem:$0x1FFB0] =	vst v63  }
0x53: {  	_ =	swait.ge [sflag:s17], $0x3F00  }
0x54: {  	[sflag:s17] =	ssyncset.done $0x0  }
.LBB2_5:
0x55: {  	s3 =	sadd.s32 $0x1, s3  }
0x56: {  	[sflag:s17] =	ssyncadd.s32 $0xFFFFC100;
	s21 =	sshll.u32 s2, $0x6;
	p0 =	sne.s32 s3, s11  }
.Ltmp3:
0x57: {  	[bflag:$0x0] =	sbarrier.arrive $0xFFFF;
	s21 =	sor.u32 $0x1C02, s21;
	(pc) =	sbr.rel @p0 .LBB2_1-.Ltmp3, $4  }
0x58: {  	[hbm:s10], [sflag:s21] =	dma.local [spmem:s20], $0x2BF2  }
0x59: {  	_ =	swait.ge [sflag:s17], $0x2BF2  }
0x5a: {  	[sflag:s17] =	ssyncset.done $0x0  }
0x5b: {  	[sflag:s17] =	ssyncadd.s32 $0xFFFFD40E  }
0x5c: {  	_ =	sfence.sel $0x180000  }
0x5d: {  	[bflag:$0x0] =	sbarrier.arrive $0xFFFF  }
0x5e: {  	p0 =	sne.s32 s2, $0x0;
	_ =	strace $0x9000004A  }
0x5f: {  	s0 =	sadd.s32 @!p0 $0x100000, s0;
	[bflag:$0x2] =	sbarrier.arrive $0xFFFF  }
0x60: {  	[sflag:s0] =	ssyncadd.tile.s32 @!p0 $0x1;
	_ =	shalt  }
.Lfunc_end2:
_tile_overlayer_lowered:
.L_overlay_start_2:
0x61: {  	(tag) =	ssettag $0x2  }
0x62: {  	s0 =	rddreg [dreg:$0x0];
	s2 =	stileid.u32  }
0x63: {  	s1 =	rddreg [dreg:$0x1];
	p0 =	sne.s32 s2, $0x0  }
0x64: {  	s3 =	rddreg [dreg:$0x2];
	[bflag:$0x3] =	sbarrier.arrive $0xFFFF;
	s2 =	simm.s32 @!p0 $0x1C02  }
0x65: {  	[timem:s3], [sflag:s2] =	dma.local @!p0 [hbm:s0], s1  }
0x66: {  	s0 =	simm.s32 @!p0 $0x2  }
0x67: {  	_ =	swait.ge @!p0 [sflag:s0], s1  }
0x68: {  	s1 =	ssub.s32 @!p0 $0x0, s1;
	[sflag:s0] =	ssyncset.done @!p0 $0x0  }
0x69: {  	[sflag:s0] =	ssyncadd.s32 @!p0 s1  }
0x6a: {  	[bflag:$0x3] =	sbarrier.arrive $0xFFFF  }
0x6b: {  	_ =	shalt  }

</sc_bundles>
